<compile_context>
chip_gen: v7x
topology: tpu7x:2x2x1
jax: 0.10.2.dev20260603
libtpu: 0.0.44.dev20260713+nightly
codegen_flags: <defaults>
</compile_context>

<pallas_src>
import functools
import math

import jax
import jax.numpy as jnp
from jax import lax
from jax.experimental import pallas as pl
from jax.experimental.pallas import tpu as pltpu
from jax.experimental.pallas import tpu_sc as plsc

N = 100000
E = 1600000
NODE_DIM = 128
NUM_BASIS = 20
CUTOFF = 5.0

_NC = 2
_NS = 16
_NW = _NC * _NS
_BPW = 3128
_GCHUNK = 384
_NGCHUNK = 9
_N_PAD = _BPW * _NW

def _sc_gather_kernel(idx_hbm, table_hbm, out_hbm,
                      idx_v, buf0, buf1, gsem, osem):
    wid = lax.axis_index("s") * _NC + lax.axis_index("c")
    base = wid * _BPW
    count = jnp.where(wid == _NW - 1, N - (_NW - 1) * _BPW, _BPW)
    pltpu.sync_copy(idx_hbm.at[pl.ds(base, _BPW)], idx_v)
    bufs = [buf0, buf1]
    starts = [jnp.minimum(i * _GCHUNK, count - _GCHUNK)
              for i in range(_NGCHUNK)]

    def gather_start(i):
        return pltpu.async_copy(
            table_hbm.at[idx_v.at[pl.ds(starts[i], _GCHUNK)]],
            bufs[i % 2], gsem,
        )

    g = {0: gather_start(0), 1: gather_start(1)}
    outs = {}
    for i in range(_NGCHUNK):
        g[i].wait()
        outs[i] = pltpu.async_copy(
            bufs[i % 2], out_hbm.at[pl.ds(base + starts[i], _GCHUNK)], osem
        )
        outs[i].wait()
        if i + 2 < _NGCHUNK:
            g[i + 2] = gather_start(i + 2)


def _sc_gather(atomic_numbers, embed_table):
    idx = jnp.pad(atomic_numbers.astype(jnp.int32), (0, _N_PAD - N))
    mesh = plsc.VectorSubcoreMesh(core_axis_name="c", subcore_axis_name="s")
    kern = functools.partial(
        pl.kernel,
        mesh=mesh,
        compiler_params=pltpu.CompilerParams(needs_layout_passes=False),
        out_type=jax.ShapeDtypeStruct((N, NODE_DIM), jnp.float32),
        scratch_types=[
            pltpu.VMEM((_BPW,), jnp.int32),
            pltpu.VMEM((_GCHUNK, NODE_DIM), jnp.float32),
            pltpu.VMEM((_GCHUNK, NODE_DIM), jnp.float32),
            pltpu.SemaphoreType.DMA,
            pltpu.SemaphoreType.DMA,
        ],
    )(_sc_gather_kernel)
    return kern(idx, embed_table)


_BE = 12800
_GRID = E // _BE

_PI = math.pi
_A = math.sqrt(2.0 / CUTOFF)

_S3 = -1.0 / 6.0
_S5 = 1.0 / 120.0
_S7 = -1.0 / 5040.0
_S9 = 1.0 / 362880.0


def _sin_reduced(ang):
    q = (ang * (1.0 / _PI)).astype(jnp.int32)
    r = ang - q.astype(jnp.float32) * _PI
    half = _PI / 2.0
    phi = half - jnp.abs(r - half)
    p2 = phi * phi
    s = phi * (1.0 + p2 * (_S3 + p2 * (_S5 + p2 * (_S7 + p2 * _S9))))
    return jnp.where((q & 1) == 0, s, -s)


def _tc_edge_kernel(d_ref, ev_ref, rbf_ref, fcut_ref, uvec_ref):
    d = d_ref[...].reshape(1, _BE)
    theta = d * (_PI / CUTOFF)
    inv_d = 1.0 / d
    w = _A * inv_d

    karr = (lax.broadcasted_iota(jnp.int32, (8, 1), 0) + 1).astype(jnp.float32)
    ang = karr * theta
    s8 = _sin_reduced(ang)
    c8 = _sin_reduced(ang + (_PI / 2.0))

    s8r = s8[7:8, :]
    c8r = c8[7:8, :]
    s16 = 2.0 * s8r * c8r
    c16 = 1.0 - 2.0 * s8r * s8r

    rbf_ref[0:8, :] = w * s8
    rbf_ref[8:16, :] = w * (s8r * c8 + c8r * s8)
    slab3 = w * (s16 * c8 + c16 * s8)
    rbf_ref[16:NUM_BASIS, :] = slab3[0 : NUM_BASIS - 16, :]

    c1 = c8[0:1, :]
    fcut_ref[...] = jnp.where(
        d < CUTOFF, 0.5 * (c1 + 1.0), 0.0
    ).reshape(1, 1, _BE)
    uvec_ref[...] = ev_ref[...] * inv_d


def _tc_edges(edge_vector, edge_length):
    d2 = edge_length.reshape(_GRID, 1, _BE)
    ev_t = edge_vector.T
    rbf_t, fcut2, uvec_t = pl.pallas_call(
        _tc_edge_kernel,
        grid=(_GRID,),
        in_specs=[
            pl.BlockSpec((1, 1, _BE), lambda i: (i, 0, 0)),
            pl.BlockSpec((3, _BE), lambda i: (0, i)),
        ],
        out_specs=[
            pl.BlockSpec((NUM_BASIS, _BE), lambda i: (0, i)),
            pl.BlockSpec((1, 1, _BE), lambda i: (i, 0, 0)),
            pl.BlockSpec((3, _BE), lambda i: (0, i)),
        ],
        out_shape=[
            jax.ShapeDtypeStruct((NUM_BASIS, E), jnp.float32),
            jax.ShapeDtypeStruct((_GRID, 1, _BE), jnp.float32),
            jax.ShapeDtypeStruct((3, E), jnp.float32),
        ],
    )(d2, ev_t)
    rbf = rbf_t.T
    fcut = fcut2.reshape(E, 1)
    uvec = uvec_t.T
    return rbf, fcut, uvec


def kernel(atomic_numbers, edge_vector, edge_length, embed_table):
    node_invariant = _sc_gather(atomic_numbers, embed_table)
    rbf, fcut, uvec = _tc_edges(edge_vector, edge_length)
    node_equivariant = jnp.zeros((N, 3, NODE_DIM), dtype=jnp.float32)
    return (node_invariant, rbf, fcut, uvec, node_equivariant)

# --- scband reference (transcript-rebuilt; emitter-appended) ---
"""Pipeline reference for scband-embedding-45913200394901 (READ-ONLY COPY).

The authoritative reference and input builder live on the scoring server;
editing this copy changes nothing except your own understanding.
"""

import jax, jax.numpy as jnp
import numpy as np

N = 100000
E = 1600000
NODE_DIM = 128
NUM_BASIS = 20
CUTOFF = 5.0


def setup_inputs(seed: int = 0) -> dict:
    key = jax.random.key(seed)
    k1, k2, k3, k4 = jax.random.split(key, 4)
    atomic_numbers = jax.random.randint(k1, (N,), 0, 100)
    edge_vector = jax.random.normal(k2, (E, 3), dtype=jnp.float32)
    # edge lengths strictly positive (they divide the vectors)
    edge_length = jax.random.uniform(k3, (E,), dtype=jnp.float32, minval=0.5, maxval=5.0)
    embed_table = jax.random.normal(k4, (100, NODE_DIM), dtype=jnp.float32)
    embed_table = embed_table.at[0].set(0.0)  # padding_idx=0
    return {
        "atomic_numbers": atomic_numbers,
        "edge_vector": edge_vector,
        "edge_length": edge_length,
        "embed_table": embed_table,
    }


def reference(atomic_numbers, edge_vector, edge_length, embed_table):
    d = edge_length[:, None]  # [E, 1]
    # nn.Embedding lookup (padding_idx row is zero in the table)
    node_invariant = jnp.take(embed_table, atomic_numbers, axis=0)  # [N, node_dim]
    # Bessel radial basis: sqrt(2/c) * sin(n*pi*d/c) / d, n = 1..num_basis
    n = jnp.arange(1, NUM_BASIS + 1, dtype=jnp.float32)  # [num_basis]
    rbf = jnp.sqrt(2.0 / CUTOFF) * jnp.sin(n * jnp.pi * d / CUTOFF) / d  # [E, num_basis]
    # Cosine cutoff envelope
    fcut = 0.5 * (jnp.cos(jnp.pi * d / CUTOFF) + 1.0) * (d < CUTOFF).astype(jnp.float32)  # [E, 1]
    # Unit edge vectors (spherical harmonics l=1)
    uvec = edge_vector / d  # [E, 3]
    node_equivariant = jnp.zeros((node_invariant.shape[0], 3, NODE_DIM), dtype=node_invariant.dtype)
    return (node_invariant, rbf, fcut, uvec, node_equivariant)

if __name__ == "__main__":
    import jax
    _d = setup_inputs()
    print(jax.jit(kernel)(*tuple(_d.values())))

</pallas_src>

<mosaic_0001>
#map = affine_map<(d0, d1) -> (0)>
#map1 = affine_map<(d0, d1) -> (0, 0)>
module attributes {stable_mosaic.version = 14 : i64} {
  func.func @_sc_gather_kernel(%arg0: i32, %arg1: i32, %arg2: memref<100096xi32, #tpu.memory_space<hbm>>, %arg3: memref<100x128xf32, #tpu.memory_space<hbm>>, %arg4: memref<100000x128xf32, #tpu.memory_space<hbm>>, %arg5: memref<3128xi32, #tpu.memory_space<vmem>>, %arg6: memref<384x128xf32, #tpu.memory_space<vmem>>, %arg7: memref<384x128xf32, #tpu.memory_space<vmem>>, %arg8: memref<!tpu.dma_semaphore, #tpu.memory_space<semaphore_mem>>, %arg9: memref<!tpu.dma_semaphore, #tpu.memory_space<semaphore_mem>>) attributes {dimension_semantics = [#tpu.dimension_semantics<core_parallel>, #tpu.dimension_semantics<subcore_parallel>], iteration_bounds = array<i64: 2, 16>, scalar_prefetch = 0 : i64, scratch_operands = 5 : i64, tpu.core_type = #tpu.core_type<sc_vector_subcore>, window_params = [{transform_indices = #map}, {transform_indices = #map1}, {transform_indices = #map1}]} {
    %mul3A = arith.constant 2 : i32
    %mul3A_0 = arith.muli %arg1, %mul3A : i32
    %add3A = arith.addi %mul3A_0, %arg0 : i32
    %mul3A_1 = arith.constant 3128 : i32
    %mul3A_2 = arith.muli %add3A, %mul3A_1 : i32
    %eq3A = arith.constant 31 : i32
    %eq3A_3 = arith.cmpi eq, %add3A, %eq3A : i32
    %jit3A = arith.constant 3032 : i32
    %jit3A_4 = arith.constant 3128 : i32
    %select_n3A = arith.select %eq3A_3, %jit3A, %jit3A_4 : i32
    "tpu.region"() ({
      %run_scoped3A = tpu.sem_alloc : memref<!tpu.dma_semaphore, #tpu.memory_space<semaphore_mem>>
      %dma_start3A_190 = tpu.memref_slice %arg2[%mul3A_2] : memref<100096xi32, #tpu.memory_space<hbm>> -> memref<3128xi32, #tpu.memory_space<hbm>>
      %dma_start3A_191 = tpu.memref_slice %arg2[%mul3A_2] : memref<100096xi32, #tpu.memory_space<hbm>> -> memref<3128xi32, #tpu.memory_space<hbm>>
      tpu.enqueue_dma source(%dma_start3A_191 : memref<3128xi32, #tpu.memory_space<hbm>>) target(%arg5 : memref<3128xi32, #tpu.memory_space<vmem>>) target_semaphore(%run_scoped3A : memref<!tpu.dma_semaphore, #tpu.memory_space<semaphore_mem>>)
      %dma_wait3A_192 = tpu.memref_slice %arg2[%mul3A_2] : memref<100096xi32, #tpu.memory_space<hbm>> -> memref<3128xi32, #tpu.memory_space<hbm>>
      %dma_wait3A_193 = tpu.memref_slice %arg2[%mul3A_2] : memref<100096xi32, #tpu.memory_space<hbm>> -> memref<3128xi32, #tpu.memory_space<hbm>>
      tpu.wait_dma2 semaphore(%run_scoped3A : memref<!tpu.dma_semaphore, #tpu.memory_space<semaphore_mem>>) src(%dma_wait3A_193 : memref<3128xi32, #tpu.memory_space<hbm>>) dst(%arg5 : memref<3128xi32, #tpu.memory_space<vmem>>)
      tpu.yield
    }) : () -> ()
    %sub3A = arith.constant 384 : i32
    %sub3A_5 = arith.subi %select_n3A, %sub3A : i32
    %min3A = arith.constant 0 : i32
    %min3A_6 = arith.minsi %min3A, %sub3A_5 : i32
    %sub3A_7 = arith.constant 384 : i32
    %sub3A_8 = arith.subi %select_n3A, %sub3A_7 : i32
    %min3A_9 = arith.constant 384 : i32
    %min3A_10 = arith.minsi %min3A_9, %sub3A_8 : i32
    %sub3A_11 = arith.constant 384 : i32
    %sub3A_12 = arith.subi %select_n3A, %sub3A_11 : i32
    %min3A_13 = arith.constant 768 : i32
    %min3A_14 = arith.minsi %min3A_13, %sub3A_12 : i32
    %sub3A_15 = arith.constant 384 : i32
    %sub3A_16 = arith.subi %select_n3A, %sub3A_15 : i32
    %min3A_17 = arith.constant 1152 : i32
    %min3A_18 = arith.minsi %min3A_17, %sub3A_16 : i32
    %sub3A_19 = arith.constant 384 : i32
    %sub3A_20 = arith.subi %select_n3A, %sub3A_19 : i32
    %min3A_21 = arith.constant 1536 : i32
    %min3A_22 = arith.minsi %min3A_21, %sub3A_20 : i32
    %sub3A_23 = arith.constant 384 : i32
    %sub3A_24 = arith.subi %select_n3A, %sub3A_23 : i32
    %min3A_25 = arith.constant 1920 : i32
    %min3A_26 = arith.minsi %min3A_25, %sub3A_24 : i32
    %sub3A_27 = arith.constant 384 : i32
    %sub3A_28 = arith.subi %select_n3A, %sub3A_27 : i32
    %min3A_29 = arith.constant 2304 : i32
    %min3A_30 = arith.minsi %min3A_29, %sub3A_28 : i32
    %sub3A_31 = arith.constant 384 : i32
    %sub3A_32 = arith.subi %select_n3A, %sub3A_31 : i32
    %min3A_33 = arith.constant 2688 : i32
    %min3A_34 = arith.minsi %min3A_33, %sub3A_32 : i32
    %sub3A_35 = arith.constant 384 : i32
    %sub3A_36 = arith.subi %select_n3A, %sub3A_35 : i32
    %min3A_37 = arith.constant 3072 : i32
    %min3A_38 = arith.minsi %min3A_37, %sub3A_36 : i32
    %dma_start3A = tpu.memref_slice %arg5[%min3A_6] : memref<3128xi32, #tpu.memory_space<vmem>> -> memref<384xi32, #tpu.memory_space<vmem>>
    %dma_start3A_39 = arith.constant 0 : i32
    %dma_start3A_40 = arith.constant 0 : i32
    %dma_start3A_41 = tpu.memref_slice %arg3[%dma_start3A_39, %dma_start3A_40] : memref<100x128xf32, #tpu.memory_space<hbm>> -> memref<100x128xf32, #tpu.memory_space<hbm>>
    tpu.enqueue_indirect_dma source(%dma_start3A_41 : memref<100x128xf32, #tpu.memory_space<hbm>>) target(%arg6 : memref<384x128xf32, #tpu.memory_space<vmem>>) offsets(%dma_start3A : memref<384xi32, #tpu.memory_space<vmem>>) semaphore(%arg8 : memref<!tpu.dma_semaphore, #tpu.memory_space<semaphore_mem>>)
    %dma_start3A_42 = tpu.memref_slice %arg5[%min3A_10] : memref<3128xi32, #tpu.memory_space<vmem>> -> memref<384xi32, #tpu.memory_space<vmem>>
    %dma_start3A_43 = arith.constant 0 : i32
    %dma_start3A_44 = arith.constant 0 : i32
    %dma_start3A_45 = tpu.memref_slice %arg3[%dma_start3A_43, %dma_start3A_44] : memref<100x128xf32, #tpu.memory_space<hbm>> -> memref<100x128xf32, #tpu.memory_space<hbm>>
    tpu.enqueue_indirect_dma source(%dma_start3A_45 : memref<100x128xf32, #tpu.memory_space<hbm>>) target(%arg7 : memref<384x128xf32, #tpu.memory_space<vmem>>) offsets(%dma_start3A_42 : memref<384xi32, #tpu.memory_space<vmem>>) semaphore(%arg8 : memref<!tpu.dma_semaphore, #tpu.memory_space<semaphore_mem>>)
    %dma_wait3A = tpu.memref_slice %arg5[%min3A_6] : memref<3128xi32, #tpu.memory_space<vmem>> -> memref<384xi32, #tpu.memory_space<vmem>>
    %dma_wait3A_46 = arith.constant 0 : i32
    %dma_wait3A_47 = arith.constant 0 : i32
    %dma_wait3A_48 = tpu.memref_slice %arg3[%dma_wait3A_46, %dma_wait3A_47] : memref<100x128xf32, #tpu.memory_space<hbm>> -> memref<100x128xf32, #tpu.memory_space<hbm>>
    tpu.wait_indirect_dma semaphore(%arg8 : memref<!tpu.dma_semaphore, #tpu.memory_space<semaphore_mem>>) src(%dma_wait3A_48 : memref<100x128xf32, #tpu.memory_space<hbm>>) dst(%arg6 : memref<384x128xf32, #tpu.memory_space<vmem>>)
    %add3A_49 = arith.addi %mul3A_2, %min3A_6 : i32
    %dma_start3A_50 = arith.constant 0 : i32
    %dma_start3A_51 = tpu.memref_slice %arg4[%add3A_49, %dma_start3A_50] : memref<100000x128xf32, #tpu.memory_space<hbm>> -> memref<384x128xf32, #tpu.memory_space<hbm>>
    %dma_start3A_52 = arith.constant 0 : i32
    %dma_start3A_53 = tpu.memref_slice %arg4[%add3A_49, %dma_start3A_52] : memref<100000x128xf32, #tpu.memory_space<hbm>> -> memref<384x128xf32, #tpu.memory_space<hbm>>
    tpu.enqueue_dma source(%arg6 : memref<384x128xf32, #tpu.memory_space<vmem>>) target(%dma_start3A_53 : memref<384x128xf32, #tpu.memory_space<hbm>>) target_semaphore(%arg9 : memref<!tpu.dma_semaphore, #tpu.memory_space<semaphore_mem>>)
    %dma_wait3A_54 = arith.constant 0 : i32
    %dma_wait3A_55 = tpu.memref_slice %arg4[%add3A_49, %dma_wait3A_54] : memref<100000x128xf32, #tpu.memory_space<hbm>> -> memref<384x128xf32, #tpu.memory_space<hbm>>
    %dma_wait3A_56 = arith.constant 0 : i32
    %dma_wait3A_57 = tpu.memref_slice %arg4[%add3A_49, %dma_wait3A_56] : memref<100000x128xf32, #tpu.memory_space<hbm>> -> memref<384x128xf32, #tpu.memory_space<hbm>>
    tpu.wait_dma2 semaphore(%arg9 : memref<!tpu.dma_semaphore, #tpu.memory_space<semaphore_mem>>) src(%arg6 : memref<384x128xf32, #tpu.memory_space<vmem>>) dst(%dma_wait3A_57 : memref<384x128xf32, #tpu.memory_space<hbm>>)
    %dma_start3A_58 = tpu.memref_slice %arg5[%min3A_14] : memref<3128xi32, #tpu.memory_space<vmem>> -> memref<384xi32, #tpu.memory_space<vmem>>
    %dma_start3A_59 = arith.constant 0 : i32
    %dma_start3A_60 = arith.constant 0 : i32
    %dma_start3A_61 = tpu.memref_slice %arg3[%dma_start3A_59, %dma_start3A_60] : memref<100x128xf32, #tpu.memory_space<hbm>> -> memref<100x128xf32, #tpu.memory_space<hbm>>
    tpu.enqueue_indirect_dma source(%dma_start3A_61 : memref<100x128xf32, #tpu.memory_space<hbm>>) target(%arg6 : memref<384x128xf32, #tpu.memory_space<vmem>>) offsets(%dma_start3A_58 : memref<384xi32, #tpu.memory_space<vmem>>) semaphore(%arg8 : memref<!tpu.dma_semaphore, #tpu.memory_space<semaphore_mem>>)
    %dma_wait3A_62 = tpu.memref_slice %arg5[%min3A_10] : memref<3128xi32, #tpu.memory_space<vmem>> -> memref<384xi32, #tpu.memory_space<vmem>>
    %dma_wait3A_63 = arith.constant 0 : i32
    %dma_wait3A_64 = arith.constant 0 : i32
    %dma_wait3A_65 = tpu.memref_slice %arg3[%dma_wait3A_63, %dma_wait3A_64] : memref<100x128xf32, #tpu.memory_space<hbm>> -> memref<100x128xf32, #tpu.memory_space<hbm>>
    tpu.wait_indirect_dma semaphore(%arg8 : memref<!tpu.dma_semaphore, #tpu.memory_space<semaphore_mem>>) src(%dma_wait3A_65 : memref<100x128xf32, #tpu.memory_space<hbm>>) dst(%arg7 : memref<384x128xf32, #tpu.memory_space<vmem>>)
    %add3A_66 = arith.addi %mul3A_2, %min3A_10 : i32
    %dma_start3A_67 = arith.constant 0 : i32
    %dma_start3A_68 = tpu.memref_slice %arg4[%add3A_66, %dma_start3A_67] : memref<100000x128xf32, #tpu.memory_space<hbm>> -> memref<384x128xf32, #tpu.memory_space<hbm>>
    %dma_start3A_69 = arith.constant 0 : i32
    %dma_start3A_70 = tpu.memref_slice %arg4[%add3A_66, %dma_start3A_69] : memref<100000x128xf32, #tpu.memory_space<hbm>> -> memref<384x128xf32, #tpu.memory_space<hbm>>
    tpu.enqueue_dma source(%arg7 : memref<384x128xf32, #tpu.memory_space<vmem>>) target(%dma_start3A_70 : memref<384x128xf32, #tpu.memory_space<hbm>>) target_semaphore(%arg9 : memref<!tpu.dma_semaphore, #tpu.memory_space<semaphore_mem>>)
    %dma_wait3A_71 = arith.constant 0 : i32
    %dma_wait3A_72 = tpu.memref_slice %arg4[%add3A_66, %dma_wait3A_71] : memref<100000x128xf32, #tpu.memory_space<hbm>> -> memref<384x128xf32, #tpu.memory_space<hbm>>
    %dma_wait3A_73 = arith.constant 0 : i32
    %dma_wait3A_74 = tpu.memref_slice %arg4[%add3A_66, %dma_wait3A_73] : memref<100000x128xf32, #tpu.memory_space<hbm>> -> memref<384x128xf32, #tpu.memory_space<hbm>>
    tpu.wait_dma2 semaphore(%arg9 : memref<!tpu.dma_semaphore, #tpu.memory_space<semaphore_mem>>) src(%arg7 : memref<384x128xf32, #tpu.memory_space<vmem>>) dst(%dma_wait3A_74 : memref<384x128xf32, #tpu.memory_space<hbm>>)
    %dma_start3A_75 = tpu.memref_slice %arg5[%min3A_18] : memref<3128xi32, #tpu.memory_space<vmem>> -> memref<384xi32, #tpu.memory_space<vmem>>
    %dma_start3A_76 = arith.constant 0 : i32
    %dma_start3A_77 = arith.constant 0 : i32
    %dma_start3A_78 = tpu.memref_slice %arg3[%dma_start3A_76, %dma_start3A_77] : memref<100x128xf32, #tpu.memory_space<hbm>> -> memref<100x128xf32, #tpu.memory_space<hbm>>
    tpu.enqueue_indirect_dma source(%dma_start3A_78 : memref<100x128xf32, #tpu.memory_space<hbm>>) target(%arg7 : memref<384x128xf32, #tpu.memory_space<vmem>>) offsets(%dma_start3A_75 : memref<384xi32, #tpu.memory_space<vmem>>) semaphore(%arg8 : memref<!tpu.dma_semaphore, #tpu.memory_space<semaphore_mem>>)
    %dma_wait3A_79 = tpu.memref_slice %arg5[%min3A_14] : memref<3128xi32, #tpu.memory_space<vmem>> -> memref<384xi32, #tpu.memory_space<vmem>>
    %dma_wait3A_80 = arith.constant 0 : i32
    %dma_wait3A_81 = arith.constant 0 : i32
    %dma_wait3A_82 = tpu.memref_slice %arg3[%dma_wait3A_80, %dma_wait3A_81] : memref<100x128xf32, #tpu.memory_space<hbm>> -> memref<100x128xf32, #tpu.memory_space<hbm>>
    tpu.wait_indirect_dma semaphore(%arg8 : memref<!tpu.dma_semaphore, #tpu.memory_space<semaphore_mem>>) src(%dma_wait3A_82 : memref<100x128xf32, #tpu.memory_space<hbm>>) dst(%arg6 : memref<384x128xf32, #tpu.memory_space<vmem>>)
    %add3A_83 = arith.addi %mul3A_2, %min3A_14 : i32
    %dma_start3A_84 = arith.constant 0 : i32
    %dma_start3A_85 = tpu.memref_slice %arg4[%add3A_83, %dma_start3A_84] : memref<100000x128xf32, #tpu.memory_space<hbm>> -> memref<384x128xf32, #tpu.memory_space<hbm>>
    %dma_start3A_86 = arith.constant 0 : i32
    %dma_start3A_87 = tpu.memref_slice %arg4[%add3A_83, %dma_start3A_86] : memref<100000x128xf32, #tpu.memory_space<hbm>> -> memref<384x128xf32, #tpu.memory_space<hbm>>
    tpu.enqueue_dma source(%arg6 : memref<384x128xf32, #tpu.memory_space<vmem>>) target(%dma_start3A_87 : memref<384x128xf32, #tpu.memory_space<hbm>>) target_semaphore(%arg9 : memref<!tpu.dma_semaphore, #tpu.memory_space<semaphore_mem>>)
    %dma_wait3A_88 = arith.constant 0 : i32
    %dma_wait3A_89 = tpu.memref_slice %arg4[%add3A_83, %dma_wait3A_88] : memref<100000x128xf32, #tpu.memory_space<hbm>> -> memref<384x128xf32, #tpu.memory_space<hbm>>
    %dma_wait3A_90 = arith.constant 0 : i32
    %dma_wait3A_91 = tpu.memref_slice %arg4[%add3A_83, %dma_wait3A_90] : memref<100000x128xf32, #tpu.memory_space<hbm>> -> memref<384x128xf32, #tpu.memory_space<hbm>>
    tpu.wait_dma2 semaphore(%arg9 : memref<!tpu.dma_semaphore, #tpu.memory_space<semaphore_mem>>) src(%arg6 : memref<384x128xf32, #tpu.memory_space<vmem>>) dst(%dma_wait3A_91 : memref<384x128xf32, #tpu.memory_space<hbm>>)
    %dma_start3A_92 = tpu.memref_slice %arg5[%min3A_22] : memref<3128xi32, #tpu.memory_space<vmem>> -> memref<384xi32, #tpu.memory_space<vmem>>
    %dma_start3A_93 = arith.constant 0 : i32
    %dma_start3A_94 = arith.constant 0 : i32
    %dma_start3A_95 = tpu.memref_slice %arg3[%dma_start3A_93, %dma_start3A_94] : memref<100x128xf32, #tpu.memory_space<hbm>> -> memref<100x128xf32, #tpu.memory_space<hbm>>
    tpu.enqueue_indirect_dma source(%dma_start3A_95 : memref<100x128xf32, #tpu.memory_space<hbm>>) target(%arg6 : memref<384x128xf32, #tpu.memory_space<vmem>>) offsets(%dma_start3A_92 : memref<384xi32, #tpu.memory_space<vmem>>) semaphore(%arg8 : memref<!tpu.dma_semaphore, #tpu.memory_space<semaphore_mem>>)
    %dma_wait3A_96 = tpu.memref_slice %arg5[%min3A_18] : memref<3128xi32, #tpu.memory_space<vmem>> -> memref<384xi32, #tpu.memory_space<vmem>>
    %dma_wait3A_97 = arith.constant 0 : i32
    %dma_wait3A_98 = arith.constant 0 : i32
    %dma_wait3A_99 = tpu.memref_slice %arg3[%dma_wait3A_97, %dma_wait3A_98] : memref<100x128xf32, #tpu.memory_space<hbm>> -> memref<100x128xf32, #tpu.memory_space<hbm>>
    tpu.wait_indirect_dma semaphore(%arg8 : memref<!tpu.dma_semaphore, #tpu.memory_space<semaphore_mem>>) src(%dma_wait3A_99 : memref<100x128xf32, #tpu.memory_space<hbm>>) dst(%arg7 : memref<384x128xf32, #tpu.memory_space<vmem>>)
    %add3A_100 = arith.addi %mul3A_2, %min3A_18 : i32
    %dma_start3A_101 = arith.constant 0 : i32
    %dma_start3A_102 = tpu.memref_slice %arg4[%add3A_100, %dma_start3A_101] : memref<100000x128xf32, #tpu.memory_space<hbm>> -> memref<384x128xf32, #tpu.memory_space<hbm>>
    %dma_start3A_103 = arith.constant 0 : i32
    %dma_start3A_104 = tpu.memref_slice %arg4[%add3A_100, %dma_start3A_103] : memref<100000x128xf32, #tpu.memory_space<hbm>> -> memref<384x128xf32, #tpu.memory_space<hbm>>
    tpu.enqueue_dma source(%arg7 : memref<384x128xf32, #tpu.memory_space<vmem>>) target(%dma_start3A_104 : memref<384x128xf32, #tpu.memory_space<hbm>>) target_semaphore(%arg9 : memref<!tpu.dma_semaphore, #tpu.memory_space<semaphore_mem>>)
    %dma_wait3A_105 = arith.constant 0 : i32
    %dma_wait3A_106 = tpu.memref_slice %arg4[%add3A_100, %dma_wait3A_105] : memref<100000x128xf32, #tpu.memory_space<hbm>> -> memref<384x128xf32, #tpu.memory_space<hbm>>
    %dma_wait3A_107 = arith.constant 0 : i32
    %dma_wait3A_108 = tpu.memref_slice %arg4[%add3A_100, %dma_wait3A_107] : memref<100000x128xf32, #tpu.memory_space<hbm>> -> memref<384x128xf32, #tpu.memory_space<hbm>>
    tpu.wait_dma2 semaphore(%arg9 : memref<!tpu.dma_semaphore, #tpu.memory_space<semaphore_mem>>) src(%arg7 : memref<384x128xf32, #tpu.memory_space<vmem>>) dst(%dma_wait3A_108 : memref<384x128xf32, #tpu.memory_space<hbm>>)
    %dma_start3A_109 = tpu.memref_slice %arg5[%min3A_26] : memref<3128xi32, #tpu.memory_space<vmem>> -> memref<384xi32, #tpu.memory_space<vmem>>
    %dma_start3A_110 = arith.constant 0 : i32
    %dma_start3A_111 = arith.constant 0 : i32
    %dma_start3A_112 = tpu.memref_slice %arg3[%dma_start3A_110, %dma_start3A_111] : memref<100x128xf32, #tpu.memory_space<hbm>> -> memref<100x128xf32, #tpu.memory_space<hbm>>
    tpu.enqueue_indirect_dma source(%dma_start3A_112 : memref<100x128xf32, #tpu.memory_space<hbm>>) target(%arg7 : memref<384x128xf32, #tpu.memory_space<vmem>>) offsets(%dma_start3A_109 : memref<384xi32, #tpu.memory_space<vmem>>) semaphore(%arg8 : memref<!tpu.dma_semaphore, #tpu.memory_space<semaphore_mem>>)
    %dma_wait3A_113 = tpu.memref_slice %arg5[%min3A_22] : memref<3128xi32, #tpu.memory_space<vmem>> -> memref<384xi32, #tpu.memory_space<vmem>>
    %dma_wait3A_114 = arith.constant 0 : i32
    %dma_wait3A_115 = arith.constant 0 : i32
    %dma_wait3A_116 = tpu.memref_slice %arg3[%dma_wait3A_114, %dma_wait3A_115] : memref<100x128xf32, #tpu.memory_space<hbm>> -> memref<100x128xf32, #tpu.memory_space<hbm>>
    tpu.wait_indirect_dma semaphore(%arg8 : memref<!tpu.dma_semaphore, #tpu.memory_space<semaphore_mem>>) src(%dma_wait3A_116 : memref<100x128xf32, #tpu.memory_space<hbm>>) dst(%arg6 : memref<384x128xf32, #tpu.memory_space<vmem>>)
    %add3A_117 = arith.addi %mul3A_2, %min3A_22 : i32
    %dma_start3A_118 = arith.constant 0 : i32
    %dma_start3A_119 = tpu.memref_slice %arg4[%add3A_117, %dma_start3A_118] : memref<100000x128xf32, #tpu.memory_space<hbm>> -> memref<384x128xf32, #tpu.memory_space<hbm>>
    %dma_start3A_120 = arith.constant 0 : i32
    %dma_start3A_121 = tpu.memref_slice %arg4[%add3A_117, %dma_start3A_120] : memref<100000x128xf32, #tpu.memory_space<hbm>> -> memref<384x128xf32, #tpu.memory_space<hbm>>
    tpu.enqueue_dma source(%arg6 : memref<384x128xf32, #tpu.memory_space<vmem>>) target(%dma_start3A_121 : memref<384x128xf32, #tpu.memory_space<hbm>>) target_semaphore(%arg9 : memref<!tpu.dma_semaphore, #tpu.memory_space<semaphore_mem>>)
    %dma_wait3A_122 = arith.constant 0 : i32
    %dma_wait3A_123 = tpu.memref_slice %arg4[%add3A_117, %dma_wait3A_122] : memref<100000x128xf32, #tpu.memory_space<hbm>> -> memref<384x128xf32, #tpu.memory_space<hbm>>
    %dma_wait3A_124 = arith.constant 0 : i32
    %dma_wait3A_125 = tpu.memref_slice %arg4[%add3A_117, %dma_wait3A_124] : memref<100000x128xf32, #tpu.memory_space<hbm>> -> memref<384x128xf32, #tpu.memory_space<hbm>>
    tpu.wait_dma2 semaphore(%arg9 : memref<!tpu.dma_semaphore, #tpu.memory_space<semaphore_mem>>) src(%arg6 : memref<384x128xf32, #tpu.memory_space<vmem>>) dst(%dma_wait3A_125 : memref<384x128xf32, #tpu.memory_space<hbm>>)
    %dma_start3A_126 = tpu.memref_slice %arg5[%min3A_30] : memref<3128xi32, #tpu.memory_space<vmem>> -> memref<384xi32, #tpu.memory_space<vmem>>
    %dma_start3A_127 = arith.constant 0 : i32
    %dma_start3A_128 = arith.constant 0 : i32
    %dma_start3A_129 = tpu.memref_slice %arg3[%dma_start3A_127, %dma_start3A_128] : memref<100x128xf32, #tpu.memory_space<hbm>> -> memref<100x128xf32, #tpu.memory_space<hbm>>
    tpu.enqueue_indirect_dma source(%dma_start3A_129 : memref<100x128xf32, #tpu.memory_space<hbm>>) target(%arg6 : memref<384x128xf32, #tpu.memory_space<vmem>>) offsets(%dma_start3A_126 : memref<384xi32, #tpu.memory_space<vmem>>) semaphore(%arg8 : memref<!tpu.dma_semaphore, #tpu.memory_space<semaphore_mem>>)
    %dma_wait3A_130 = tpu.memref_slice %arg5[%min3A_26] : memref<3128xi32, #tpu.memory_space<vmem>> -> memref<384xi32, #tpu.memory_space<vmem>>
    %dma_wait3A_131 = arith.constant 0 : i32
    %dma_wait3A_132 = arith.constant 0 : i32
    %dma_wait3A_133 = tpu.memref_slice %arg3[%dma_wait3A_131, %dma_wait3A_132] : memref<100x128xf32, #tpu.memory_space<hbm>> -> memref<100x128xf32, #tpu.memory_space<hbm>>
    tpu.wait_indirect_dma semaphore(%arg8 : memref<!tpu.dma_semaphore, #tpu.memory_space<semaphore_mem>>) src(%dma_wait3A_133 : memref<100x128xf32, #tpu.memory_space<hbm>>) dst(%arg7 : memref<384x128xf32, #tpu.memory_space<vmem>>)
    %add3A_134 = arith.addi %mul3A_2, %min3A_26 : i32
    %dma_start3A_135 = arith.constant 0 : i32
    %dma_start3A_136 = tpu.memref_slice %arg4[%add3A_134, %dma_start3A_135] : memref<100000x128xf32, #tpu.memory_space<hbm>> -> memref<384x128xf32, #tpu.memory_space<hbm>>
    %dma_start3A_137 = arith.constant 0 : i32
    %dma_start3A_138 = tpu.memref_slice %arg4[%add3A_134, %dma_start3A_137] : memref<100000x128xf32, #tpu.memory_space<hbm>> -> memref<384x128xf32, #tpu.memory_space<hbm>>
    tpu.enqueue_dma source(%arg7 : memref<384x128xf32, #tpu.memory_space<vmem>>) target(%dma_start3A_138 : memref<384x128xf32, #tpu.memory_space<hbm>>) target_semaphore(%arg9 : memref<!tpu.dma_semaphore, #tpu.memory_space<semaphore_mem>>)
    %dma_wait3A_139 = arith.constant 0 : i32
    %dma_wait3A_140 = tpu.memref_slice %arg4[%add3A_134, %dma_wait3A_139] : memref<100000x128xf32, #tpu.memory_space<hbm>> -> memref<384x128xf32, #tpu.memory_space<hbm>>
    %dma_wait3A_141 = arith.constant 0 : i32
    %dma_wait3A_142 = tpu.memref_slice %arg4[%add3A_134, %dma_wait3A_141] : memref<100000x128xf32, #tpu.memory_space<hbm>> -> memref<384x128xf32, #tpu.memory_space<hbm>>
    tpu.wait_dma2 semaphore(%arg9 : memref<!tpu.dma_semaphore, #tpu.memory_space<semaphore_mem>>) src(%arg7 : memref<384x128xf32, #tpu.memory_space<vmem>>) dst(%dma_wait3A_142 : memref<384x128xf32, #tpu.memory_space<hbm>>)
    %dma_start3A_143 = tpu.memref_slice %arg5[%min3A_34] : memref<3128xi32, #tpu.memory_space<vmem>> -> memref<384xi32, #tpu.memory_space<vmem>>
    %dma_start3A_144 = arith.constant 0 : i32
    %dma_start3A_145 = arith.constant 0 : i32
    %dma_start3A_146 = tpu.memref_slice %arg3[%dma_start3A_144, %dma_start3A_145] : memref<100x128xf32, #tpu.memory_space<hbm>> -> memref<100x128xf32, #tpu.memory_space<hbm>>
    tpu.enqueue_indirect_dma source(%dma_start3A_146 : memref<100x128xf32, #tpu.memory_space<hbm>>) target(%arg7 : memref<384x128xf32, #tpu.memory_space<vmem>>) offsets(%dma_start3A_143 : memref<384xi32, #tpu.memory_space<vmem>>) semaphore(%arg8 : memref<!tpu.dma_semaphore, #tpu.memory_space<semaphore_mem>>)
    %dma_wait3A_147 = tpu.memref_slice %arg5[%min3A_30] : memref<3128xi32, #tpu.memory_space<vmem>> -> memref<384xi32, #tpu.memory_space<vmem>>
    %dma_wait3A_148 = arith.constant 0 : i32
    %dma_wait3A_149 = arith.constant 0 : i32
    %dma_wait3A_150 = tpu.memref_slice %arg3[%dma_wait3A_148, %dma_wait3A_149] : memref<100x128xf32, #tpu.memory_space<hbm>> -> memref<100x128xf32, #tpu.memory_space<hbm>>
    tpu.wait_indirect_dma semaphore(%arg8 : memref<!tpu.dma_semaphore, #tpu.memory_space<semaphore_mem>>) src(%dma_wait3A_150 : memref<100x128xf32, #tpu.memory_space<hbm>>) dst(%arg6 : memref<384x128xf32, #tpu.memory_space<vmem>>)
    %add3A_151 = arith.addi %mul3A_2, %min3A_30 : i32
    %dma_start3A_152 = arith.constant 0 : i32
    %dma_start3A_153 = tpu.memref_slice %arg4[%add3A_151, %dma_start3A_152] : memref<100000x128xf32, #tpu.memory_space<hbm>> -> memref<384x128xf32, #tpu.memory_space<hbm>>
    %dma_start3A_154 = arith.constant 0 : i32
    %dma_start3A_155 = tpu.memref_slice %arg4[%add3A_151, %dma_start3A_154] : memref<100000x128xf32, #tpu.memory_space<hbm>> -> memref<384x128xf32, #tpu.memory_space<hbm>>
    tpu.enqueue_dma source(%arg6 : memref<384x128xf32, #tpu.memory_space<vmem>>) target(%dma_start3A_155 : memref<384x128xf32, #tpu.memory_space<hbm>>) target_semaphore(%arg9 : memref<!tpu.dma_semaphore, #tpu.memory_space<semaphore_mem>>)
    %dma_wait3A_156 = arith.constant 0 : i32
    %dma_wait3A_157 = tpu.memref_slice %arg4[%add3A_151, %dma_wait3A_156] : memref<100000x128xf32, #tpu.memory_space<hbm>> -> memref<384x128xf32, #tpu.memory_space<hbm>>
    %dma_wait3A_158 = arith.constant 0 : i32
    %dma_wait3A_159 = tpu.memref_slice %arg4[%add3A_151, %dma_wait3A_158] : memref<100000x128xf32, #tpu.memory_space<hbm>> -> memref<384x128xf32, #tpu.memory_space<hbm>>
    tpu.wait_dma2 semaphore(%arg9 : memref<!tpu.dma_semaphore, #tpu.memory_space<semaphore_mem>>) src(%arg6 : memref<384x128xf32, #tpu.memory_space<vmem>>) dst(%dma_wait3A_159 : memref<384x128xf32, #tpu.memory_space<hbm>>)
    %dma_start3A_160 = tpu.memref_slice %arg5[%min3A_38] : memref<3128xi32, #tpu.memory_space<vmem>> -> memref<384xi32, #tpu.memory_space<vmem>>
    %dma_start3A_161 = arith.constant 0 : i32
    %dma_start3A_162 = arith.constant 0 : i32
    %dma_start3A_163 = tpu.memref_slice %arg3[%dma_start3A_161, %dma_start3A_162] : memref<100x128xf32, #tpu.memory_space<hbm>> -> memref<100x128xf32, #tpu.memory_space<hbm>>
    tpu.enqueue_indirect_dma source(%dma_start3A_163 : memref<100x128xf32, #tpu.memory_space<hbm>>) target(%arg6 : memref<384x128xf32, #tpu.memory_space<vmem>>) offsets(%dma_start3A_160 : memref<384xi32, #tpu.memory_space<vmem>>) semaphore(%arg8 : memref<!tpu.dma_semaphore, #tpu.memory_space<semaphore_mem>>)
    %dma_wait3A_164 = tpu.memref_slice %arg5[%min3A_34] : memref<3128xi32, #tpu.memory_space<vmem>> -> memref<384xi32, #tpu.memory_space<vmem>>
    %dma_wait3A_165 = arith.constant 0 : i32
    %dma_wait3A_166 = arith.constant 0 : i32
    %dma_wait3A_167 = tpu.memref_slice %arg3[%dma_wait3A_165, %dma_wait3A_166] : memref<100x128xf32, #tpu.memory_space<hbm>> -> memref<100x128xf32, #tpu.memory_space<hbm>>
    tpu.wait_indirect_dma semaphore(%arg8 : memref<!tpu.dma_semaphore, #tpu.memory_space<semaphore_mem>>) src(%dma_wait3A_167 : memref<100x128xf32, #tpu.memory_space<hbm>>) dst(%arg7 : memref<384x128xf32, #tpu.memory_space<vmem>>)
    %add3A_168 = arith.addi %mul3A_2, %min3A_34 : i32
    %dma_start3A_169 = arith.constant 0 : i32
    %dma_start3A_170 = tpu.memref_slice %arg4[%add3A_168, %dma_start3A_169] : memref<100000x128xf32, #tpu.memory_space<hbm>> -> memref<384x128xf32, #tpu.memory_space<hbm>>
    %dma_start3A_171 = arith.constant 0 : i32
    %dma_start3A_172 = tpu.memref_slice %arg4[%add3A_168, %dma_start3A_171] : memref<100000x128xf32, #tpu.memory_space<hbm>> -> memref<384x128xf32, #tpu.memory_space<hbm>>
    tpu.enqueue_dma source(%arg7 : memref<384x128xf32, #tpu.memory_space<vmem>>) target(%dma_start3A_172 : memref<384x128xf32, #tpu.memory_space<hbm>>) target_semaphore(%arg9 : memref<!tpu.dma_semaphore, #tpu.memory_space<semaphore_mem>>)
    %dma_wait3A_173 = arith.constant 0 : i32
    %dma_wait3A_174 = tpu.memref_slice %arg4[%add3A_168, %dma_wait3A_173] : memref<100000x128xf32, #tpu.memory_space<hbm>> -> memref<384x128xf32, #tpu.memory_space<hbm>>
    %dma_wait3A_175 = arith.constant 0 : i32
    %dma_wait3A_176 = tpu.memref_slice %arg4[%add3A_168, %dma_wait3A_175] : memref<100000x128xf32, #tpu.memory_space<hbm>> -> memref<384x128xf32, #tpu.memory_space<hbm>>
    tpu.wait_dma2 semaphore(%arg9 : memref<!tpu.dma_semaphore, #tpu.memory_space<semaphore_mem>>) src(%arg7 : memref<384x128xf32, #tpu.memory_space<vmem>>) dst(%dma_wait3A_176 : memref<384x128xf32, #tpu.memory_space<hbm>>)
    %dma_wait3A_177 = tpu.memref_slice %arg5[%min3A_38] : memref<3128xi32, #tpu.memory_space<vmem>> -> memref<384xi32, #tpu.memory_space<vmem>>
    %dma_wait3A_178 = arith.constant 0 : i32
    %dma_wait3A_179 = arith.constant 0 : i32
    %dma_wait3A_180 = tpu.memref_slice %arg3[%dma_wait3A_178, %dma_wait3A_179] : memref<100x128xf32, #tpu.memory_space<hbm>> -> memref<100x128xf32, #tpu.memory_space<hbm>>
    tpu.wait_indirect_dma semaphore(%arg8 : memref<!tpu.dma_semaphore, #tpu.memory_space<semaphore_mem>>) src(%dma_wait3A_180 : memref<100x128xf32, #tpu.memory_space<hbm>>) dst(%arg6 : memref<384x128xf32, #tpu.memory_space<vmem>>)
    %add3A_181 = arith.addi %mul3A_2, %min3A_38 : i32
    %dma_start3A_182 = arith.constant 0 : i32
    %dma_start3A_183 = tpu.memref_slice %arg4[%add3A_181, %dma_start3A_182] : memref<100000x128xf32, #tpu.memory_space<hbm>> -> memref<384x128xf32, #tpu.memory_space<hbm>>
    %dma_start3A_184 = arith.constant 0 : i32
    %dma_start3A_185 = tpu.memref_slice %arg4[%add3A_181, %dma_start3A_184] : memref<100000x128xf32, #tpu.memory_space<hbm>> -> memref<384x128xf32, #tpu.memory_space<hbm>>
    tpu.enqueue_dma source(%arg6 : memref<384x128xf32, #tpu.memory_space<vmem>>) target(%dma_start3A_185 : memref<384x128xf32, #tpu.memory_space<hbm>>) target_semaphore(%arg9 : memref<!tpu.dma_semaphore, #tpu.memory_space<semaphore_mem>>)
    %dma_wait3A_186 = arith.constant 0 : i32
    %dma_wait3A_187 = tpu.memref_slice %arg4[%add3A_181, %dma_wait3A_186] : memref<100000x128xf32, #tpu.memory_space<hbm>> -> memref<384x128xf32, #tpu.memory_space<hbm>>
    %dma_wait3A_188 = arith.constant 0 : i32
    %dma_wait3A_189 = tpu.memref_slice %arg4[%add3A_181, %dma_wait3A_188] : memref<100000x128xf32, #tpu.memory_space<hbm>> -> memref<384x128xf32, #tpu.memory_space<hbm>>
    tpu.wait_dma2 semaphore(%arg9 : memref<!tpu.dma_semaphore, #tpu.memory_space<semaphore_mem>>) src(%arg6 : memref<384x128xf32, #tpu.memory_space<vmem>>) dst(%dma_wait3A_189 : memref<384x128xf32, #tpu.memory_space<hbm>>)
    return
  }
}

module attributes {stable_mosaic.version = 14 : i64} {
  func.func @_tc_edge_kernel(%arg0: i32, %arg1: memref<1x1x12800xf32, #tpu.memory_space<vmem>>, %arg2: memref<3x12800xf32, #tpu.memory_space<vmem>>, %arg3: memref<20x12800xf32, #tpu.memory_space<vmem>>, %arg4: memref<1x1x12800xf32, #tpu.memory_space<vmem>>, %arg5: memref<3x12800xf32, #tpu.memory_space<vmem>>) attributes {dimension_semantics = [#tpu.dimension_semantics<arbitrary>], iteration_bounds = array<i64: 125>, scalar_prefetch = 0 : i64, scratch_operands = 0 : i64, tpu.core_type = #tpu.core_type<tc>, window_params = [{transform_indices = @transform_0, window_bounds = array<i64: 1, 1, 12800>}, {transform_indices = @transform_1, window_bounds = array<i64: 3, 12800>}, {transform_indices = @transform_2, window_bounds = array<i64: 20, 12800>}, {transform_indices = @transform_3, window_bounds = array<i64: 1, 1, 12800>}, {transform_indices = @transform_4, window_bounds = array<i64: 3, 12800>}]} {
    %get3A = arith.constant 0 : index
    %get3A_0 = arith.constant 0 : index
    %get3A_1 = arith.constant 0 : index
    %get3A_2 = vector.load %arg1[%get3A, %get3A_0, %get3A_1] : memref<1x1x12800xf32, #tpu.memory_space<vmem>>, vector<1x1x12800xf32>
    %reshape3A = vector.shape_cast %get3A_2 : vector<1x1x12800xf32> to vector<1x12800xf32>
    %mul3A = arith.constant 0.628318548 : f32
    %mul3A_3 = vector.broadcast %mul3A : f32 to vector<1x12800xf32>
    %mul3A_4 = arith.mulf %reshape3A, %mul3A_3 : vector<1x12800xf32>
    %div3A = arith.constant 1.000000e+00 : f32
    %div3A_5 = vector.broadcast %div3A : f32 to vector<1x12800xf32>
    %div3A_6 = arith.divf %div3A_5, %reshape3A : vector<1x12800xf32>
    %mul3A_7 = arith.constant 0.632455527 : f32
    %mul3A_8 = vector.broadcast %mul3A_7 : f32 to vector<1x12800xf32>
    %mul3A_9 = arith.mulf %mul3A_8, %div3A_6 : vector<1x12800xf32>
    %iota3A = tpu.iota {dimensions = array<i32: 0>} : vector<8x1xi32>
    %add3A = arith.constant 1 : i32
    %add3A_10 = vector.broadcast %add3A : i32 to vector<8x1xi32>
    %add3A_11 = arith.addi %iota3A, %add3A_10 : vector<8x1xi32>
    %convert_element_type3A = arith.sitofp %add3A_11 : vector<8x1xi32> to vector<8x1xf32>
    %mul3A_12 = vector.broadcast %convert_element_type3A : vector<8x1xf32> to vector<8x12800xf32>
    %mul3A_13 = vector.broadcast %mul3A_4 : vector<1x12800xf32> to vector<8x12800xf32>
    %mul3A_14 = arith.mulf %mul3A_12, %mul3A_13 : vector<8x12800xf32>
    %mul3A_15 = arith.constant 0.318309873 : f32
    %mul3A_16 = vector.broadcast %mul3A_15 : f32 to vector<8x12800xf32>
    %mul3A_17 = arith.mulf %mul3A_14, %mul3A_16 : vector<8x12800xf32>
    %convert_element_type3A_18 = arith.fptosi %mul3A_17 : vector<8x12800xf32> to vector<8x12800xi32>
    %convert_element_type3A_19 = arith.sitofp %convert_element_type3A_18 : vector<8x12800xi32> to vector<8x12800xf32>
    %mul3A_20 = arith.constant 3.14159274 : f32
    %mul3A_21 = vector.broadcast %mul3A_20 : f32 to vector<8x12800xf32>
    %mul3A_22 = arith.mulf %convert_element_type3A_19, %mul3A_21 : vector<8x12800xf32>
    %sub3A = arith.subf %mul3A_14, %mul3A_22 : vector<8x12800xf32>
    %sub3A_23 = arith.constant 1.57079637 : f32
    %sub3A_24 = vector.broadcast %sub3A_23 : f32 to vector<8x12800xf32>
    %sub3A_25 = arith.subf %sub3A, %sub3A_24 : vector<8x12800xf32>
    %abs3A = math.absf %sub3A_25 : vector<8x12800xf32>
    %sub3A_26 = arith.constant 1.57079637 : f32
    %sub3A_27 = vector.broadcast %sub3A_26 : f32 to vector<8x12800xf32>
    %sub3A_28 = arith.subf %sub3A_27, %abs3A : vector<8x12800xf32>
    %mul3A_29 = arith.mulf %sub3A_28, %sub3A_28 : vector<8x12800xf32>
    %mul3A_30 = arith.constant 2.75573188E-6 : f32
    %mul3A_31 = vector.broadcast %mul3A_30 : f32 to vector<8x12800xf32>
    %mul3A_32 = arith.mulf %mul3A_29, %mul3A_31 : vector<8x12800xf32>
    %add3A_33 = arith.constant -1.98412701E-4 : f32
    %add3A_34 = vector.broadcast %add3A_33 : f32 to vector<8x12800xf32>
    %add3A_35 = arith.addf %add3A_34, %mul3A_32 : vector<8x12800xf32>
    %mul3A_36 = arith.mulf %mul3A_29, %add3A_35 : vector<8x12800xf32>
    %add3A_37 = arith.constant 0.00833333377 : f32
    %add3A_38 = vector.broadcast %add3A_37 : f32 to vector<8x12800xf32>
    %add3A_39 = arith.addf %add3A_38, %mul3A_36 : vector<8x12800xf32>
    %mul3A_40 = arith.mulf %mul3A_29, %add3A_39 : vector<8x12800xf32>
    %add3A_41 = arith.constant -0.166666672 : f32
    %add3A_42 = vector.broadcast %add3A_41 : f32 to vector<8x12800xf32>
    %add3A_43 = arith.addf %add3A_42, %mul3A_40 : vector<8x12800xf32>
    %mul3A_44 = arith.mulf %mul3A_29, %add3A_43 : vector<8x12800xf32>
    %add3A_45 = arith.constant 1.000000e+00 : f32
    %add3A_46 = vector.broadcast %add3A_45 : f32 to vector<8x12800xf32>
    %add3A_47 = arith.addf %add3A_46, %mul3A_44 : vector<8x12800xf32>
    %mul3A_48 = arith.mulf %sub3A_28, %add3A_47 : vector<8x12800xf32>
    %and3A = arith.constant 1 : i32
    %and3A_49 = vector.broadcast %and3A : i32 to vector<8x12800xi32>
    %and3A_50 = arith.andi %convert_element_type3A_18, %and3A_49 : vector<8x12800xi32>
    %eq3A = arith.constant 0 : i32
    %eq3A_51 = vector.broadcast %eq3A : i32 to vector<8x12800xi32>
    %eq3A_52 = arith.cmpi eq, %and3A_50, %eq3A_51 : vector<8x12800xi32>
    %neg3A = arith.constant 0.000000e+00 : f32
    %neg3A_53 = vector.broadcast %neg3A : f32 to vector<8x12800xf32>
    %neg3A_54 = arith.subf %neg3A_53, %mul3A_48 : vector<8x12800xf32>
    %select_n3A = arith.select %eq3A_52, %mul3A_48, %neg3A_54 : vector<8x12800xi1>, vector<8x12800xf32>
    %add3A_55 = arith.constant 1.57079637 : f32
    %add3A_56 = vector.broadcast %add3A_55 : f32 to vector<8x12800xf32>
    %add3A_57 = arith.addf %mul3A_14, %add3A_56 : vector<8x12800xf32>
    %mul3A_58 = arith.constant 0.318309873 : f32
    %mul3A_59 = vector.broadcast %mul3A_58 : f32 to vector<8x12800xf32>
    %mul3A_60 = arith.mulf %add3A_57, %mul3A_59 : vector<8x12800xf32>
    %convert_element_type3A_61 = arith.fptosi %mul3A_60 : vector<8x12800xf32> to vector<8x12800xi32>
    %convert_element_type3A_62 = arith.sitofp %convert_element_type3A_61 : vector<8x12800xi32> to vector<8x12800xf32>
    %mul3A_63 = arith.constant 3.14159274 : f32
    %mul3A_64 = vector.broadcast %mul3A_63 : f32 to vector<8x12800xf32>
    %mul3A_65 = arith.mulf %convert_element_type3A_62, %mul3A_64 : vector<8x12800xf32>
    %sub3A_66 = arith.subf %add3A_57, %mul3A_65 : vector<8x12800xf32>
    %sub3A_67 = arith.constant 1.57079637 : f32
    %sub3A_68 = vector.broadcast %sub3A_67 : f32 to vector<8x12800xf32>
    %sub3A_69 = arith.subf %sub3A_66, %sub3A_68 : vector<8x12800xf32>
    %abs3A_70 = math.absf %sub3A_69 : vector<8x12800xf32>
    %sub3A_71 = arith.constant 1.57079637 : f32
    %sub3A_72 = vector.broadcast %sub3A_71 : f32 to vector<8x12800xf32>
    %sub3A_73 = arith.subf %sub3A_72, %abs3A_70 : vector<8x12800xf32>
    %mul3A_74 = arith.mulf %sub3A_73, %sub3A_73 : vector<8x12800xf32>
    %mul3A_75 = arith.constant 2.75573188E-6 : f32
    %mul3A_76 = vector.broadcast %mul3A_75 : f32 to vector<8x12800xf32>
    %mul3A_77 = arith.mulf %mul3A_74, %mul3A_76 : vector<8x12800xf32>
    %add3A_78 = arith.constant -1.98412701E-4 : f32
    %add3A_79 = vector.broadcast %add3A_78 : f32 to vector<8x12800xf32>
    %add3A_80 = arith.addf %add3A_79, %mul3A_77 : vector<8x12800xf32>
    %mul3A_81 = arith.mulf %mul3A_74, %add3A_80 : vector<8x12800xf32>
    %add3A_82 = arith.constant 0.00833333377 : f32
    %add3A_83 = vector.broadcast %add3A_82 : f32 to vector<8x12800xf32>
    %add3A_84 = arith.addf %add3A_83, %mul3A_81 : vector<8x12800xf32>
    %mul3A_85 = arith.mulf %mul3A_74, %add3A_84 : vector<8x12800xf32>
    %add3A_86 = arith.constant -0.166666672 : f32
    %add3A_87 = vector.broadcast %add3A_86 : f32 to vector<8x12800xf32>
    %add3A_88 = arith.addf %add3A_87, %mul3A_85 : vector<8x12800xf32>
    %mul3A_89 = arith.mulf %mul3A_74, %add3A_88 : vector<8x12800xf32>
    %add3A_90 = arith.constant 1.000000e+00 : f32
    %add3A_91 = vector.broadcast %add3A_90 : f32 to vector<8x12800xf32>
    %add3A_92 = arith.addf %add3A_91, %mul3A_89 : vector<8x12800xf32>
    %mul3A_93 = arith.mulf %sub3A_73, %add3A_92 : vector<8x12800xf32>
    %and3A_94 = arith.constant 1 : i32
    %and3A_95 = vector.broadcast %and3A_94 : i32 to vector<8x12800xi32>
    %and3A_96 = arith.andi %convert_element_type3A_61, %and3A_95 : vector<8x12800xi32>
    %eq3A_97 = arith.constant 0 : i32
    %eq3A_98 = vector.broadcast %eq3A_97 : i32 to vector<8x12800xi32>
    %eq3A_99 = arith.cmpi eq, %and3A_96, %eq3A_98 : vector<8x12800xi32>
    %neg3A_100 = arith.constant 0.000000e+00 : f32
    %neg3A_101 = vector.broadcast %neg3A_100 : f32 to vector<8x12800xf32>
    %neg3A_102 = arith.subf %neg3A_101, %mul3A_93 : vector<8x12800xf32>
    %select_n3A_103 = arith.select %eq3A_99, %mul3A_93, %neg3A_102 : vector<8x12800xi1>, vector<8x12800xf32>
    %slice3A = vector.extract_strided_slice %select_n3A {offsets = [7, 0], sizes = [1, 12800], strides = [1, 1]} : vector<8x12800xf32> to vector<1x12800xf32>
    %slice3A_104 = vector.extract_strided_slice %select_n3A_103 {offsets = [7, 0], sizes = [1, 12800], strides = [1, 1]} : vector<8x12800xf32> to vector<1x12800xf32>
    %mul3A_105 = arith.constant 2.000000e+00 : f32
    %mul3A_106 = vector.broadcast %mul3A_105 : f32 to vector<1x12800xf32>
    %mul3A_107 = arith.mulf %mul3A_106, %slice3A : vector<1x12800xf32>
    %mul3A_108 = arith.mulf %mul3A_107, %slice3A_104 : vector<1x12800xf32>
    %mul3A_109 = arith.constant 2.000000e+00 : f32
    %mul3A_110 = vector.broadcast %mul3A_109 : f32 to vector<1x12800xf32>
    %mul3A_111 = arith.mulf %mul3A_110, %slice3A : vector<1x12800xf32>
    %mul3A_112 = arith.mulf %mul3A_111, %slice3A : vector<1x12800xf32>
    %sub3A_113 = arith.constant 1.000000e+00 : f32
    %sub3A_114 = vector.broadcast %sub3A_113 : f32 to vector<1x12800xf32>
    %sub3A_115 = arith.subf %sub3A_114, %mul3A_112 : vector<1x12800xf32>
    %mul3A_116 = vector.broadcast %mul3A_9 : vector<1x12800xf32> to vector<8x12800xf32>
    %mul3A_117 = arith.mulf %mul3A_116, %select_n3A : vector<8x12800xf32>
    %swap3A = arith.constant 0 : index
    %swap3A_118 = arith.constant 0 : index
    %swap3A_119 = vector.load %arg3[%swap3A, %swap3A_118] : memref<20x12800xf32, #tpu.memory_space<vmem>>, vector<8x12800xf32>
    tpu.vector_store %arg3[%swap3A, %swap3A_118], %mul3A_117 {strides = array<i32>} : memref<20x12800xf32, #tpu.memory_space<vmem>>, vector<8x12800xf32>,
    %mul3A_120 = vector.broadcast %slice3A : vector<1x12800xf32> to vector<8x12800xf32>
    %mul3A_121 = arith.mulf %mul3A_120, %select_n3A_103 : vector<8x12800xf32>
    %mul3A_122 = vector.broadcast %slice3A_104 : vector<1x12800xf32> to vector<8x12800xf32>
    %mul3A_123 = arith.mulf %mul3A_122, %select_n3A : vector<8x12800xf32>
    %add3A_124 = arith.addf %mul3A_121, %mul3A_123 : vector<8x12800xf32>
    %mul3A_125 = vector.broadcast %mul3A_9 : vector<1x12800xf32> to vector<8x12800xf32>
    %mul3A_126 = arith.mulf %mul3A_125, %add3A_124 : vector<8x12800xf32>
    %swap3A_127 = arith.constant 8 : index
    %swap3A_128 = arith.constant 0 : index
    %swap3A_129 = vector.load %arg3[%swap3A_127, %swap3A_128] : memref<20x12800xf32, #tpu.memory_space<vmem>>, vector<8x12800xf32>
    tpu.vector_store %arg3[%swap3A_127, %swap3A_128], %mul3A_126 {strides = array<i32>} : memref<20x12800xf32, #tpu.memory_space<vmem>>, vector<8x12800xf32>,
    %mul3A_130 = vector.broadcast %mul3A_108 : vector<1x12800xf32> to vector<8x12800xf32>
    %mul3A_131 = arith.mulf %mul3A_130, %select_n3A_103 : vector<8x12800xf32>
    %mul3A_132 = vector.broadcast %sub3A_115 : vector<1x12800xf32> to vector<8x12800xf32>
    %mul3A_133 = arith.mulf %mul3A_132, %select_n3A : vector<8x12800xf32>
    %add3A_134 = arith.addf %mul3A_131, %mul3A_133 : vector<8x12800xf32>
    %mul3A_135 = vector.broadcast %mul3A_9 : vector<1x12800xf32> to vector<8x12800xf32>
    %mul3A_136 = arith.mulf %mul3A_135, %add3A_134 : vector<8x12800xf32>
    %slice3A_137 = vector.extract_strided_slice %mul3A_136 {offsets = [0, 0], sizes = [4, 12800], strides = [1, 1]} : vector<8x12800xf32> to vector<4x12800xf32>
    %swap3A_138 = arith.constant 16 : index
    %swap3A_139 = arith.constant 0 : index
    %swap3A_140 = vector.load %arg3[%swap3A_138, %swap3A_139] : memref<20x12800xf32, #tpu.memory_space<vmem>>, vector<4x12800xf32>
    tpu.vector_store %arg3[%swap3A_138, %swap3A_139], %slice3A_137 {strides = array<i32>} : memref<20x12800xf32, #tpu.memory_space<vmem>>, vector<4x12800xf32>,
    %slice3A_141 = vector.extract_strided_slice %select_n3A_103 {offsets = [0, 0], sizes = [1, 12800], strides = [1, 1]} : vector<8x12800xf32> to vector<1x12800xf32>
    %lt3A = arith.constant 5.000000e+00 : f32
    %lt3A_142 = vector.broadcast %lt3A : f32 to vector<1x12800xf32>
    %lt3A_143 = arith.cmpf olt, %reshape3A, %lt3A_142 : vector<1x12800xf32>
    %add3A_144 = arith.constant 1.000000e+00 : f32
    %add3A_145 = vector.broadcast %add3A_144 : f32 to vector<1x12800xf32>
    %add3A_146 = arith.addf %slice3A_141, %add3A_145 : vector<1x12800xf32>
    %mul3A_147 = arith.constant 5.000000e-01 : f32
    %mul3A_148 = vector.broadcast %mul3A_147 : f32 to vector<1x12800xf32>
    %mul3A_149 = arith.mulf %mul3A_148, %add3A_146 : vector<1x12800xf32>
    %jit3A = arith.constant 0.000000e+00 : f32
    %broadcast_in_dim3A = vector.broadcast %jit3A : f32 to vector<1x12800xf32>
    %select_n3A_150 = arith.select %lt3A_143, %mul3A_149, %broadcast_in_dim3A : vector<1x12800xi1>, vector<1x12800xf32>
    %reshape3A_151 = vector.shape_cast %select_n3A_150 : vector<1x12800xf32> to vector<1x1x12800xf32>
    %swap3A_152 = arith.constant 0 : index
    %swap3A_153 = arith.constant 0 : index
    %swap3A_154 = arith.constant 0 : index
    %swap3A_155 = vector.load %arg4[%swap3A_152, %swap3A_153, %swap3A_154] : memref<1x1x12800xf32, #tpu.memory_space<vmem>>, vector<1x1x12800xf32>
    tpu.vector_store %arg4[%swap3A_152, %swap3A_153, %swap3A_154], %reshape3A_151 {strides = array<i32>} : memref<1x1x12800xf32, #tpu.memory_space<vmem>>, vector<1x1x12800xf32>,
    %get3A_156 = arith.constant 0 : index
    %get3A_157 = arith.constant 0 : index
    %get3A_158 = vector.load %arg2[%get3A_156, %get3A_157] : memref<3x12800xf32, #tpu.memory_space<vmem>>, vector<3x12800xf32>
    %mul3A_159 = vector.broadcast %div3A_6 : vector<1x12800xf32> to vector<3x12800xf32>
    %mul3A_160 = arith.mulf %get3A_158, %mul3A_159 : vector<3x12800xf32>
    %swap3A_161 = arith.constant 0 : index
    %swap3A_162 = arith.constant 0 : index
    %swap3A_163 = vector.load %arg5[%swap3A_161, %swap3A_162] : memref<3x12800xf32, #tpu.memory_space<vmem>>, vector<3x12800xf32>
    tpu.vector_store %arg5[%swap3A_161, %swap3A_162], %mul3A_160 {strides = array<i32>} : memref<3x12800xf32, #tpu.memory_space<vmem>>, vector<3x12800xf32>,
    return
  }
  func.func @transform_0(%arg0: i32) -> (i32, i32, i32) {
    %c0_i32 = arith.constant 0 : i32
    %c0_i32_0 = arith.constant 0 : i32
    %c0_i32_1 = arith.constant 0 : i32
    return %arg0, %c0_i32, %c0_i32_0 : i32, i32, i32
  }
  func.func @transform_1(%arg0: i32) -> (i32, i32) {
    %c0_i32 = arith.constant 0 : i32
    %c0_i32_0 = arith.constant 0 : i32
    return %c0_i32, %arg0 : i32, i32
  }
  func.func @transform_2(%arg0: i32) -> (i32, i32) {
    %c0_i32 = arith.constant 0 : i32
    %c0_i32_0 = arith.constant 0 : i32
    return %c0_i32, %arg0 : i32, i32
  }
  func.func @transform_3(%arg0: i32) -> (i32, i32, i32) {
    %c0_i32 = arith.constant 0 : i32
    %c0_i32_0 = arith.constant 0 : i32
    %c0_i32_1 = arith.constant 0 : i32
    return %arg0, %c0_i32, %c0_i32_0 : i32, i32, i32
  }
  func.func @transform_4(%arg0: i32) -> (i32, i32) {
    %c0_i32 = arith.constant 0 : i32
    %c0_i32_0 = arith.constant 0 : i32
    return %c0_i32, %arg0 : i32, i32
  }
}

</mosaic_0001>

<sc_bundles>
// kernel: kernel.4.cloned.1.call-start
scs
__scs_entry_jumppad:
0x0: {  	(pc) =	sbr.rel $0x88, $3  }
0x1: {  	(tag) =	ssettag $0x0;
	lr =	simm.s32 $0x1  }
0x2: {  	[smem:$0x3F9D] =	sst lr;
	_ =	strace $0xD0000000  }
0x3: {  	_ = 	snop  }
0x4: {  	_ = 	snop  }
0x5: {  	_ = 	snop  }
0x6: {  	_ = 	snop  }
0x7: {  	_ = 	snop  }
__scs_overlays_trampoline_lowered:
0x8: {  	[smem:$0x3FAC] =	sst s0  }
0x9: {  	[smem:$0x3FAD] =	sst s1  }
0xa: {  	[smem:$0x3FAE] =	sst s2  }
0xb: {  	[smem:$0x3FAF] =	sst s3  }
0xc: {  	[smem:$0x3FB0] =	sst s4  }
0xd: {  	[smem:$0x3FB1] =	sst s5  }
0xe: {  	[smem:$0x3FB2] =	sst s6  }
0xf: {  	[smem:$0x3FB3] =	sst s7  }
0x10: {  	[smem:$0x3FB4] =	sst s8  }
0x11: {  	[smem:$0x3FB5] =	sst s9;
	s0 =	simm.s32 @!p0 $0x0  }
0x12: {  	s1 =	sld [smem:$0x3F9B];
	s0 =	simm.s32 @p0 $0x1  }
0x13: {  	[smem:$0x3FB6] =	sst s0;
	s0 =	simm.s32 @!p1 $0x0  }
0x14: {  	s2 =	sld [smem:$0x3F9A];
	s0 =	simm.s32 @p1 $0x1  }
0x15: {  	[smem:$0x3FB7] =	sst s0;
	s0 =	simm.s32 @!p2 $0x0  }
0x16: {  	s3 =	sld [smem:$0x3FDB];
	s0 =	simm.s32 @p2 $0x1  }
0x17: {  	s4 =	simm.s32 $0x1BF5;
	[smem:$0x3FB9] =	sst s0  }
0x18: {  	s0 =	sld [smem:$0x3F9C];
	_ =	swait.ge [sflag:s4], $0x0  }
0x19: {  	s7 =	sld [smem:$0x3F9D]  }
0x1a: {  	s8 =	sadd.s32 $0xFFFFE003, lr  }
0x1b: {  	s9 =	sadd.s32 $0xFFFFFEF7, lr;
	s5 =	simm.s32 $0xFFFFFFFF;
	p2 =	slt.u32 s8, $0xFFFFF086  }
0x1c: {  	p1 =	slt.u32 s9, $0xF7A;
	s5 =	simm.s32 @!p2 $0x0  }
0x1d: {  	s5 =	simm.s32 @p1 $0x1;
	p0 =	seq.s32 s7, s2  }
0x1e: {  	s7 =	smul.u32 @!p0 $0xF7A, s2;
	p2 =	seq.s32 @!p0 s5, $0x0  }
0x1f: {  	s9 =	smul.u32 $0xF7A, s1;
	s8 =	simm.s32 @!p0 $0x1BF5;
	p2 =	por !p2, p0  }
0x20: {  	[sflag:s8] =	ssyncset.s32 @!p0 $0xFFFFF086;
	s6 =	sadd.s32 @!p0 s3, s7;
	s7 =	simm.s32 @!p0 $0x108  }
0x21: {  	s3 =	sadd.s32 s3, s9;
	s6 =	sadd.s32 @!p0 $0x88, s6;
	s7 =	simm.s32 @p2 $0x1082  }
0x22: {  	[simem:s7], [sflag:s8] =	dma.local @!p0 [hbm:s6], $0xF7A  }
0x23: {  	s9 =	sor.u32 $0xD0000000, s2;
	s6 =	simm.s32 $0x108;
	_ =	swait.ge @!p0 [sflag:s8], $0x0  }
0x24: {  	s3 =	sadd.s32 $0x88, s3;
	s6 =	simm.s32 @!p1 $0x1082;
	[sflag:s4] =	ssyncset.s32 $0xFFFFF086  }
0x25: {  	[simem:s6], [sflag:s4] =	dma.local [hbm:s3], $0xF7A  }
0x26: {  	[smem:$0x3F9D] =	sst s1;
	(tag) =	ssettag s2;
	_ =	strace s9  }
0x27: {  	s1 =	sld [smem:$0x3FAD]  }
0x28: {  	s2 =	sld [smem:$0x3FAE]  }
0x29: {  	s4 =	sld [smem:$0x3FB0]  }
0x2a: {  	p0 =	seq.s32 s5, $0x0;
	s5 =	sld [smem:$0x3FB1]  }
0x2b: {  	s6 =	sld [smem:$0x3FB2]  }
0x2c: {  	s7 =	sld [smem:$0x3FB3]  }
0x2d: {  	s3 =	simm.s32 $0x108;
	s8 =	sld [smem:$0x3FB4]  }
0x2e: {  	s3 =	simm.s32 @!p0 $0x1082;
	s9 =	sld [smem:$0x3FB5]  }
0x2f: {  	lr =	sadd.s32 s0, s3;
	s0 =	sld [smem:$0x3FAC]  }
0x30: {  	s3 =	sld [smem:$0x3FAF]  }
0x31: {  	[smem:$0x3FB8] =	sst s10  }
0x32: {  	s10 =	sld [smem:$0x3FB6];
	_ =	sdelay $0x3  }
0x33: {  	p0 =	seq.s32 s10, $0x1;
	s10 =	sld [smem:$0x3FB8];
	_ =	sdelay $0x3  }
0x34: {  	[smem:$0x3FB8] =	sst s10  }
0x35: {  	s10 =	sld [smem:$0x3FB7];
	_ =	sdelay $0x3  }
0x36: {  	p1 =	seq.s32 s10, $0x1;
	s10 =	sld [smem:$0x3FB8];
	_ =	sdelay $0x3  }
0x37: {  	[smem:$0x3FB8] =	sst s10  }
0x38: {  	s10 =	sld [smem:$0x3FB9]  }
0x39: {  	_ = 	snop;
	(pc) =	sbr.ind lr, $3  }
0x3a: {  	_ = 	snop  }
0x3b: {  	_ = 	snop  }
0x3c: {  	p2 =	seq.s32 s10, $0x1;
	s10 =	sld [smem:$0x3FB8]  }
0x3d: {  	_ =	shalt  }
0x3e: {  	_ =	shalt  }
0x3f: {  	_ =	shalt  }
0x40: {  	_ =	shalt  }
0x41: {  	_ =	shalt  }
0x42: {  	_ =	shalt  }
0x43: {  	_ =	shalt  }
0x44: {  	_ =	shalt  }
0x45: {  	_ =	shalt  }
0x46: {  	_ =	shalt  }
0x47: {  	_ =	shalt  }
0x48: {  	_ =	shalt  }
0x49: {  	_ =	shalt  }
0x4a: {  	_ =	shalt  }
0x4b: {  	_ =	shalt  }
0x4c: {  	_ =	shalt  }
0x4d: {  	_ =	shalt  }
0x4e: {  	_ =	shalt  }
0x4f: {  	_ =	shalt  }
0x50: {  	_ =	shalt  }
0x51: {  	_ =	shalt  }
0x52: {  	_ =	shalt  }
0x53: {  	_ =	shalt  }
0x54: {  	_ =	shalt  }
0x55: {  	_ =	shalt  }
0x56: {  	_ =	shalt  }
0x57: {  	_ =	shalt  }
0x58: {  	_ =	shalt  }
0x59: {  	_ =	shalt  }
0x5a: {  	_ =	shalt  }
0x5b: {  	_ =	shalt  }
0x5c: {  	_ =	shalt  }
0x5d: {  	_ =	shalt  }
0x5e: {  	_ =	shalt  }
0x5f: {  	_ =	shalt  }
0x60: {  	_ =	shalt  }
0x61: {  	_ =	shalt  }
0x62: {  	_ =	shalt  }
0x63: {  	_ =	shalt  }
0x64: {  	_ =	shalt  }
0x65: {  	_ =	shalt  }
0x66: {  	_ =	shalt  }
0x67: {  	_ =	shalt  }
0x68: {  	_ =	shalt  }
0x69: {  	_ =	shalt  }
0x6a: {  	_ =	shalt  }
0x6b: {  	_ =	shalt  }
0x6c: {  	_ =	shalt  }
0x6d: {  	_ =	shalt  }
0x6e: {  	_ =	shalt  }
0x6f: {  	_ =	shalt  }
0x70: {  	_ =	shalt  }
0x71: {  	_ =	shalt  }
0x72: {  	_ =	shalt  }
0x73: {  	_ =	shalt  }
0x74: {  	_ =	shalt  }
0x75: {  	_ =	shalt  }
0x76: {  	_ =	shalt  }
0x77: {  	_ =	shalt  }
0x78: {  	_ =	shalt  }
0x79: {  	_ =	shalt  }
0x7a: {  	_ =	shalt  }
0x7b: {  	_ =	shalt  }
0x7c: {  	_ =	shalt  }
0x7d: {  	_ =	shalt  }
0x7e: {  	_ =	shalt  }
0x7f: {  	_ =	shalt  }
0x80: {  	_ =	shalt  }
0x81: {  	_ =	shalt  }
0x82: {  	_ =	shalt  }
0x83: {  	_ =	shalt  }
0x84: {  	_ =	shalt  }
0x85: {  	_ =	shalt  }
0x86: {  	_ =	shalt  }
0x87: {  	_ =	shalt  }
.Lfunc_end0:
.L_simem_size_0:
called_computation_lowered:
.L_overlay_start_0:
0x88: {  	s2 =	sld [smem:$0x3FD9]  }
0x89: {  	s3 =	sld [smem:$0x3FFE];
	_ =	sdelay $0x1  }
0x8a: {  	s1 =	srdreg.scid  }
0x8b: {  	s0 =	sand.u32 $0x1, s1  }
0x8c: {  	s15 =	sshll.u32 s0, $0xA;
	s2 =	sadd.s32 s3, s2  }
0x8d: {  	s2 =	sadd.s32 s2, s15  }
0x8e: {  	[smem:$0x3FC4] =	sst s2  }
0x8f: {  	_ = 	snop  }
0x90: {  	s2 =	sld [smem:$0x3FD0];
	_ =	sdelay $0x2  }
0x91: {  	s4 =	simm.s32 $0xA;
	s5 =	simm.s32 $0x10;
	s16 =	sld [smem:$0x3FC6]  }
0x92: {  	[smem:s5], [sflag:s4] =	dma.local [hbm:s2], $0x1  }
0x93: {  	_ =	swait.eq [sflag:s4], $0x1  }
0x94: {  	[sflag:s4] =	ssyncset.done $0x0  }
0x95: {  	s17 =	sld [smem:$0x10];
	[sflag:s4] =	ssyncadd.s32 $0xFFFFFFFF  }
0x96: {  	s18 =	sld [smem:$0x14];
	(tm) =	ssettm $0x1  }
0x97: {  	s19 =	sld [smem:$0x3FFB];
	_ =	sdelay $0x3  }
0x98: {  	_ =	strace s19  }
0x99: {  	s5 =	sld [smem:$0x3FFC];
	_ =	sdelay $0x3  }
0x9a: {  	_ =	strace s5  }
0x9b: {  	s5 =	sld [smem:$0x3FFD];
	_ =	sdelay $0x3  }
0x9c: {  	_ =	strace s5  }
0x9d: {  	_ =	strace $0x8FFFFFFF  }
0x9e: {  	s20 =	sld [smem:$0x3FDB];
	_ =	sdelay $0x1  }
0x9f: {  	s6 =	simm.s32 $_scs_section_size  }
0xa0: {  	s7 =	simm.s32 $_size__tile_overlayer_lowered;
	s8 =	simm.s32 $_tile_overlayer_lowered  }
0xa1: {  	s23 =	simm.s32 $0x1BFF;
	s22 =	sshll.u32 s8, $0x1;
	s5 =	sadd.s32 s6, s20  }
0xa2: {  	s9 =	simm.s32 $0x0;
	s21 =	sshll.u32 s7, $0x1;
	s7 =	sadd.s32 s22, s5  }
0xa3: {  	[timem:s9], [sflag:s23] =	dma.local [hbm:s7], s21  }
0xa4: {  	_ =	swait.ge [sflag:s23], s21  }
0xa5: {  	s6 =	ssub.s32 $0x0, s21;
	[sflag:s23] =	ssyncset.done $0x0  }
0xa6: {  	[sflag:s23] =	ssyncadd.s32 s6;
	_ =	sdelay $0x1  }
0xa7: {  	s24 =	simm.s32 $0x1B8B  }
0xa8: {  	_ =	swait.ge [sflag:s24], $0x1  }
0xa9: {  	[sflag:s24] =	ssyncset.done $0x0  }
0xaa: {  	s25 =	simm.s32 $0x1B8E;
	[sflag:s24] =	ssyncadd.s32 $0xFFFFFFFF  }
0xab: {  	s26 =	simm.s32 $execute0_lowered;
	[smem:$0x3FD2] =	sst s25  }
0xac: {  	s6 =	sshll.u32 s26, $0x1;
	_ =	strace $0x80000046;
	[dreg:$0x1] =	wrdreg $0xFFFFFFFF  }
0xad: {  	s28 =	simm.s32 $_size_execute0_lowered;
	s5 =	sadd.s32 s5, s6;
	[dreg:$0x0] =	wrdreg $0x0  }
0xae: {  	s6 =	sshll.u32 s28, $0x1;
	[dreg:$0x2] =	wrdreg s5  }
0xaf: {  	[dreg:$0x3] =	wrdreg s6  }
0xb0: {  	[dreg:$0x4] =	wrdreg $0xC0  }
0xb1: {  	_ =	task [dreg:s9], $0x5FFFF  }
0xb2: {  	[dreg:$0x1] =	wrdreg $0xFFFFFFFF  }
0xb3: {  	[dreg:$0x0] =	wrdreg $0x60  }
0xb4: {  	[dreg:$0x2] =	wrdreg s18  }
0xb5: {  	[dreg:$0x3] =	wrdreg s16  }
0xb6: {  	[dreg:$0x4] =	wrdreg s17  }
0xb7: {  	[dreg:$0x5] =	wrdreg $0x9  }
0xb8: {  	_ =	task.clear_ibuf [dreg:s9], $0x6FFFF;
	_ =	strace $0x90000046  }
0xb9: {  	s29 =	simm.s32 $0x9;
	_ =	strace $0x80000048  }
0xba: {  	_ =	swait.ge [sflag:s29], $0x1  }
0xbb: {  	[sflag:s29] =	ssyncadd.s32 $0xFFFFFFFF  }
0xbc: {  	_ =	strace $0x90000048  }
0xbd: {  	_ =	sfence  }
0xbe: {  	s30 =	sld [smem:$0x0];
	_ =	sdelay $0x2  }
0xbf: {  	s31 =	sshll.u32 s1, $0xD;
	s1 =	sshrl.u32 s1, $0x2  }
0xc0: {  	s3 =	sand.u32 $0x4000, s31;
	s1 =	sadd.s32 s1, s30  }
0xc1: {  	s0 =	sor.u32 s3, s0;
	s1 =	sshll.u32 s1, $0x11  }
0xc2: {  	s0 =	sor.u32 s1, s0  }
0xc3: {  	s0 =	sadd.s32 $0x8F2B, s0  }
0xc4: {  	[sflag:s0] =	ssyncadd.remote.s32 $0x1  }
0xc5: {  	_ =	sfence.sel $0xFFFF  }
0xc6: {  	[dreg:$0x0] =	wrdreg $0xFFFFFFFF;
	(pc) =	sbr.abs _section_cstart, $3  }
0xc7: {  	[dreg:$0x1] =	wrdreg $0xFFFFFFFF  }
0xc8: {  	_ =	task.clear_ibuf [dreg:s9], $0x2FFFF;
	_ =	strace $0x9FFFFFFF  }
0xc9: {  	(tm) =	ssettm $0x7FFFFFFF  }
tec
execute0_lowered:
.L_overlay_start_1:
0x0: {  	(tag) =	ssettag $0x1  }
0x1: {  	s1 =	srdreg.scid;
	s0 =	stileid.u32  }
0x2: {  	s4 =	rddreg [dreg:$0x0];
	s28 =	sand.u32 $0x1, s1;
	s31 =	sshll.u32 s0, $0x1  }
0x3: {  	s2 =	rddreg [dreg:$0x1];
	s22 =	sor.u32 s28, s31  }
0x4: {  	s26 =	rddreg [dreg:$0x2];
	s29 =	smul.u32 $0xC38, s22  }
0x5: {  	s3 =	simm.s32 $0x0;
	s1 =	rddreg [dreg:$0x3]  }
0x6: {  	[smem:$0x7FF] =	sst s3;
	s5 =	sshrl.u32 s29, $0x3  }
0x7: {  	_ =	strace $0x80000047;
	s4 =	sadd.s32 s4, s5;
	s5 =	simm.s32 $0x3  }
0x8: {  	[tilespmem:s3], [sflag:$0x3] =	stream.linear.gather [hbm4b:s4+s3], $0xC38, $0x38;
	[tilespmem:$0x18C80] =	vst v63  }
0x9: {  	_ =	swait.ge [sflag:s5], $0xC38  }
0xa: {  	[sflag:s5] =	ssyncset.done $0x0  }
0xb: {  	s6 =	simm.s32 $0x180;
	s7 =	simm.s32 $0xC80;
	[sflag:s5] =	ssyncadd.s32 $0xFFFFF3C8  }
0xc: {  	[tilespmem:s7], [sflag:$0x1] =	stream.indirect.gather [hbm4b:s2+s6], $0x80, s3, s6, $0xb8;
	[tilespmem:$0x18C80] =	vst v63  }
0xd: {  	s8 =	simm.s32 $0xCC80;
	s9 =	simm.s32 $0x1  }
0xe: {  	[tilespmem:s8], [sflag:$0x1] =	stream.indirect.gather [hbm4b:s2+s6], $0x80, s6, s6, $0xb8;
	[tilespmem:$0x18C80] =	vst v63  }
0xf: {  	s10 =	smul.u32 $0xC380, s22;
	_ =	swait.ge [sflag:s9], $0xC000  }
0x10: {  	[sflag:s9] =	ssyncset.done $0x0  }
0x11: {  	s11 =	sadd.s32 s26, s10;
	s10 =	simm.s32 $0x2;
	[sflag:s9] =	ssyncadd.s32 $0xFFFF4000  }
0x12: {  	[hbm4b:s11+s3] =	stream.linear.scatter [tilespmem:s7], [sflag:$0x2], $0xC000, $0x38;
	[tilespmem:$0x18C80] =	vst v63  }
0x13: {  	_ =	swait.ge [sflag:s10], $0xC000  }
0x14: {  	[sflag:s10] =	ssyncset.done $0x0  }
0x15: {  	s12 =	simm.s32 $0x300;
	s13 =	smul.u32 $0x61C00, s22;
	[sflag:s10] =	ssyncadd.s32 $0xFFFF4000  }
0x16: {  	[tilespmem:s7], [sflag:$0x1] =	stream.indirect.gather [hbm4b:s2+s6], $0x80, s12, s6, $0xb8;
	[tilespmem:$0x18C80] =	vst v63  }
0x17: {  	s13 =	sshrl.u32 s13, $0x3;
	_ =	swait.ge [sflag:s9], $0xC000  }
0x18: {  	s24 =	sadd.s32 s26, s13;
	[sflag:s9] =	ssyncset.done $0x0  }
0x19: {  	s13 =	sadd.s32 $0x1800, s24;
	[sflag:s9] =	ssyncadd.s32 $0xFFFF4000  }
0x1a: {  	[hbm4b:s13+s3] =	stream.linear.scatter [tilespmem:s8], [sflag:$0x2], $0xC000, $0x38;
	[tilespmem:$0x18C80] =	vst v63  }
0x1b: {  	_ =	swait.ge [sflag:s10], $0xC000  }
0x1c: {  	[sflag:s10] =	ssyncset.done $0x0  }
0x1d: {  	s14 =	simm.s32 $0x480;
	[sflag:s10] =	ssyncadd.s32 $0xFFFF4000  }
0x1e: {  	[tilespmem:s8], [sflag:$0x1] =	stream.indirect.gather [hbm4b:s2+s6], $0x80, s14, s6, $0xb8;
	[tilespmem:$0x18C80] =	vst v63  }
0x1f: {  	_ =	swait.ge [sflag:s9], $0xC000  }
0x20: {  	[sflag:s9] =	ssyncset.done $0x0  }
0x21: {  	s15 =	sadd.s32 $0x3000, s24;
	[sflag:s9] =	ssyncadd.s32 $0xFFFF4000  }
0x22: {  	[hbm4b:s15+s3] =	stream.linear.scatter [tilespmem:s7], [sflag:$0x2], $0xC000, $0x38;
	[tilespmem:$0x18C80] =	vst v63  }
0x23: {  	_ =	swait.ge [sflag:s10], $0xC000  }
0x24: {  	[sflag:s10] =	ssyncset.done $0x0  }
0x25: {  	s16 =	simm.s32 $0x600;
	[sflag:s10] =	ssyncadd.s32 $0xFFFF4000  }
0x26: {  	[tilespmem:s7], [sflag:$0x1] =	stream.indirect.gather [hbm4b:s2+s6], $0x80, s16, s6, $0xb8;
	[tilespmem:$0x18C80] =	vst v63  }
0x27: {  	_ =	swait.ge [sflag:s9], $0xC000  }
0x28: {  	[sflag:s9] =	ssyncset.done $0x0  }
0x29: {  	s17 =	sadd.s32 $0x4800, s24;
	[sflag:s9] =	ssyncadd.s32 $0xFFFF4000  }
0x2a: {  	[hbm4b:s17+s3] =	stream.linear.scatter [tilespmem:s8], [sflag:$0x2], $0xC000, $0x38;
	[tilespmem:$0x18C80] =	vst v63  }
0x2b: {  	_ =	swait.ge [sflag:s10], $0xC000  }
0x2c: {  	[sflag:s10] =	ssyncset.done $0x0  }
0x2d: {  	s18 =	simm.s32 $0x780;
	[sflag:s10] =	ssyncadd.s32 $0xFFFF4000  }
0x2e: {  	[tilespmem:s8], [sflag:$0x1] =	stream.indirect.gather [hbm4b:s2+s6], $0x80, s18, s6, $0xb8;
	[tilespmem:$0x18C80] =	vst v63  }
0x2f: {  	_ =	swait.ge [sflag:s9], $0xC000  }
0x30: {  	[sflag:s9] =	ssyncset.done $0x0  }
0x31: {  	s19 =	sadd.s32 $0x6000, s24;
	[sflag:s9] =	ssyncadd.s32 $0xFFFF4000  }
0x32: {  	[hbm4b:s19+s3] =	stream.linear.scatter [tilespmem:s7], [sflag:$0x2], $0xC000, $0x38;
	[tilespmem:$0x18C80] =	vst v63  }
0x33: {  	_ =	swait.ge [sflag:s10], $0xC000  }
0x34: {  	[sflag:s10] =	ssyncset.done $0x0  }
0x35: {  	s20 =	simm.s32 $0x900;
	[sflag:s10] =	ssyncadd.s32 $0xFFFF4000  }
0x36: {  	[tilespmem:s7], [sflag:$0x1] =	stream.indirect.gather [hbm4b:s2+s6], $0x80, s20, s6, $0xb8;
	[tilespmem:$0x18C80] =	vst v63  }
0x37: {  	_ =	swait.ge [sflag:s9], $0xC000  }
0x38: {  	[sflag:s9] =	ssyncset.done $0x0  }
0x39: {  	s21 =	sadd.s32 $0x7800, s24;
	[sflag:s9] =	ssyncadd.s32 $0xFFFF4000  }
0x3a: {  	[hbm4b:s21+s3] =	stream.linear.scatter [tilespmem:s8], [sflag:$0x2], $0xC000, $0x38;
	[tilespmem:$0x18C80] =	vst v63  }
0x3b: {  	p0 =	seq.s32 s22, $0x1F;
	s22 =	simm.s32 $0xA58;
	_ =	swait.ge [sflag:s10], $0xC000  }
0x3c: {  	s22 =	simm.s32 @!p0 $0xAB8;
	[sflag:s10] =	ssyncset.done $0x0  }
0x3d: {  	s23 =	smin.u32 s22, $0xA80;
	[sflag:s10] =	ssyncadd.s32 $0xFFFF4000  }
0x3e: {  	[tilespmem:s8], [sflag:$0x1] =	stream.indirect.gather [hbm4b:s2+s6], $0x80, s23, s6, $0xb8;
	[tilespmem:$0x18C80] =	vst v63  }
0x3f: {  	_ =	swait.ge [sflag:s9], $0xC000  }
0x40: {  	[sflag:s9] =	ssyncset.done $0x0  }
0x41: {  	s24 =	sadd.s32 $0x9000, s24;
	[sflag:s9] =	ssyncadd.s32 $0xFFFF4000  }
0x42: {  	[hbm4b:s24+s3] =	stream.linear.scatter [tilespmem:s7], [sflag:$0x2], $0xC000, $0x38;
	[tilespmem:$0x18C80] =	vst v63  }
0x43: {  	_ =	swait.ge [sflag:s10], $0xC000  }
0x44: {  	[sflag:s10] =	ssyncset.done $0x0  }
0x45: {  	[sflag:s10] =	ssyncadd.s32 $0xFFFF4000  }
0x46: {  	[tilespmem:s7], [sflag:$0x1] =	stream.indirect.gather [hbm4b:s2+s6], $0x80, s22, s6, $0xb8;
	[tilespmem:$0x18C80] =	vst v63  }
0x47: {  	s25 =	sadd.s32 s29, s23;
	_ =	swait.ge [sflag:s9], $0xC000  }
0x48: {  	s25 =	sshll.u32 s25, $0x4;
	[sflag:s9] =	ssyncset.done $0x0  }
0x49: {  	s28 =	ssub.s32 $0x2, s28;
	s25 =	sadd.s32 s26, s25;
	[sflag:s9] =	ssyncadd.s32 $0xFFFF4000  }
0x4a: {  	[hbm4b:s25+s3] =	stream.linear.scatter [tilespmem:s8], [sflag:$0x2], $0xC000, $0x38;
	[tilespmem:$0x18C80] =	vst v63  }
0x4b: {  	s30 =	sshrl.u32 s28, $0x1;
	_ =	swait.ge [sflag:s10], $0xC000  }
0x4c: {  	s28 =	ssub.s32 s28, s30;
	[sflag:s10] =	ssyncset.done $0x0  }
0x4d: {  	s28 =	smax.u32 s28, $0x1;
	[sflag:s10] =	ssyncadd.s32 $0xFFFF4000  }
0x4e: {  	s29 =	sadd.s32 s29, s22;
	p0 =	sne.s32 s28, $0x1;
	_ =	swait.ge [sflag:s9], $0xC000  }
.Ltmp0:
0x4f: {  	s29 =	sshll.u32 s29, $0x4;
	[sflag:s9] =	ssyncset.done $0x0;
	(pc) =	sbr.rel @!p0 .LBB2_2-.Ltmp0, $4  }
0x50: {  	s26 =	sadd.s32 s26, s29;
	[sflag:s9] =	ssyncadd.s32 $0xFFFF4000  }
0x51: {  	[hbm4b:s26+s3] =	stream.linear.scatter [tilespmem:s7], [sflag:$0x2], $0xC000, $0x38;
	[tilespmem:$0x18C80] =	vst v63  }
0x52: {  	_ =	swait.ge [sflag:s10], $0xC000  }
0x53: {  	s28 =	sadd.s32 $0xFFFFFFFF, s28;
	[sflag:s10] =	ssyncset.done $0x0  }
.LBB2_1:
0x54: {  	p0 =	sne.s32 s28, $0x1;
	s28 =	sadd.s32 $0xFFFFFFFF, s28;
	[sflag:s10] =	ssyncadd.s32 $0xFFFF4000  }
0x55: {  	[tilespmem:s3], [sflag:$0x3] =	stream.linear.gather [hbm4b:s4+s3], $0xC38, $0x38;
	[tilespmem:$0x18C80] =	vst v63  }
0x56: {  	_ =	swait.ge [sflag:s5], $0xC38  }
0x57: {  	[sflag:s5] =	ssyncset.done $0x0  }
0x58: {  	[sflag:s5] =	ssyncadd.s32 $0xFFFFF3C8  }
0x59: {  	[tilespmem:s7], [sflag:$0x1] =	stream.indirect.gather [hbm4b:s2+s6], $0x80, s3, s6, $0xb8;
	[tilespmem:$0x18C80] =	vst v63  }
0x5a: {  	_ = 	snop  }
0x5b: {  	[tilespmem:s8], [sflag:$0x1] =	stream.indirect.gather [hbm4b:s2+s6], $0x80, s6, s6, $0xb8;
	[tilespmem:$0x18C80] =	vst v63  }
0x5c: {  	_ =	swait.ge [sflag:s9], $0xC000  }
0x5d: {  	[sflag:s9] =	ssyncset.done $0x0  }
0x5e: {  	[sflag:s9] =	ssyncadd.s32 $0xFFFF4000  }
0x5f: {  	[hbm4b:s11+s3] =	stream.linear.scatter [tilespmem:s7], [sflag:$0x2], $0xC000, $0x38;
	[tilespmem:$0x18C80] =	vst v63  }
0x60: {  	_ =	swait.ge [sflag:s10], $0xC000  }
0x61: {  	[sflag:s10] =	ssyncset.done $0x0  }
0x62: {  	[sflag:s10] =	ssyncadd.s32 $0xFFFF4000  }
0x63: {  	[tilespmem:s7], [sflag:$0x1] =	stream.indirect.gather [hbm4b:s2+s6], $0x80, s12, s6, $0xb8;
	[tilespmem:$0x18C80] =	vst v63  }
0x64: {  	_ =	swait.ge [sflag:s9], $0xC000  }
0x65: {  	[sflag:s9] =	ssyncset.done $0x0  }
0x66: {  	[sflag:s9] =	ssyncadd.s32 $0xFFFF4000  }
0x67: {  	[hbm4b:s13+s3] =	stream.linear.scatter [tilespmem:s8], [sflag:$0x2], $0xC000, $0x38;
	[tilespmem:$0x18C80] =	vst v63  }
0x68: {  	_ =	swait.ge [sflag:s10], $0xC000  }
0x69: {  	[sflag:s10] =	ssyncset.done $0x0  }
0x6a: {  	[sflag:s10] =	ssyncadd.s32 $0xFFFF4000  }
0x6b: {  	[tilespmem:s8], [sflag:$0x1] =	stream.indirect.gather [hbm4b:s2+s6], $0x80, s14, s6, $0xb8;
	[tilespmem:$0x18C80] =	vst v63  }
0x6c: {  	_ =	swait.ge [sflag:s9], $0xC000  }
0x6d: {  	[sflag:s9] =	ssyncset.done $0x0  }
0x6e: {  	[sflag:s9] =	ssyncadd.s32 $0xFFFF4000  }
0x6f: {  	[hbm4b:s15+s3] =	stream.linear.scatter [tilespmem:s7], [sflag:$0x2], $0xC000, $0x38;
	[tilespmem:$0x18C80] =	vst v63  }
0x70: {  	_ =	swait.ge [sflag:s10], $0xC000  }
0x71: {  	[sflag:s10] =	ssyncset.done $0x0  }
0x72: {  	[sflag:s10] =	ssyncadd.s32 $0xFFFF4000  }
0x73: {  	[tilespmem:s7], [sflag:$0x1] =	stream.indirect.gather [hbm4b:s2+s6], $0x80, s16, s6, $0xb8;
	[tilespmem:$0x18C80] =	vst v63  }
0x74: {  	_ =	swait.ge [sflag:s9], $0xC000  }
0x75: {  	[sflag:s9] =	ssyncset.done $0x0  }
0x76: {  	[sflag:s9] =	ssyncadd.s32 $0xFFFF4000  }
0x77: {  	[hbm4b:s17+s3] =	stream.linear.scatter [tilespmem:s8], [sflag:$0x2], $0xC000, $0x38;
	[tilespmem:$0x18C80] =	vst v63  }
0x78: {  	_ =	swait.ge [sflag:s10], $0xC000  }
0x79: {  	[sflag:s10] =	ssyncset.done $0x0  }
0x7a: {  	[sflag:s10] =	ssyncadd.s32 $0xFFFF4000  }
0x7b: {  	[tilespmem:s8], [sflag:$0x1] =	stream.indirect.gather [hbm4b:s2+s6], $0x80, s18, s6, $0xb8;
	[tilespmem:$0x18C80] =	vst v63  }
0x7c: {  	_ =	swait.ge [sflag:s9], $0xC000  }
0x7d: {  	[sflag:s9] =	ssyncset.done $0x0  }
0x7e: {  	[sflag:s9] =	ssyncadd.s32 $0xFFFF4000  }
0x7f: {  	[hbm4b:s19+s3] =	stream.linear.scatter [tilespmem:s7], [sflag:$0x2], $0xC000, $0x38;
	[tilespmem:$0x18C80] =	vst v63  }
0x80: {  	_ =	swait.ge [sflag:s10], $0xC000  }
0x81: {  	[sflag:s10] =	ssyncset.done $0x0  }
0x82: {  	[sflag:s10] =	ssyncadd.s32 $0xFFFF4000  }
0x83: {  	[tilespmem:s7], [sflag:$0x1] =	stream.indirect.gather [hbm4b:s2+s6], $0x80, s20, s6, $0xb8;
	[tilespmem:$0x18C80] =	vst v63  }
0x84: {  	_ =	swait.ge [sflag:s9], $0xC000  }
0x85: {  	[sflag:s9] =	ssyncset.done $0x0  }
0x86: {  	[sflag:s9] =	ssyncadd.s32 $0xFFFF4000  }
0x87: {  	[hbm4b:s21+s3] =	stream.linear.scatter [tilespmem:s8], [sflag:$0x2], $0xC000, $0x38;
	[tilespmem:$0x18C80] =	vst v63  }
0x88: {  	_ =	swait.ge [sflag:s10], $0xC000  }
0x89: {  	[sflag:s10] =	ssyncset.done $0x0  }
0x8a: {  	[sflag:s10] =	ssyncadd.s32 $0xFFFF4000  }
0x8b: {  	[tilespmem:s8], [sflag:$0x1] =	stream.indirect.gather [hbm4b:s2+s6], $0x80, s23, s6, $0xb8;
	[tilespmem:$0x18C80] =	vst v63  }
0x8c: {  	_ =	swait.ge [sflag:s9], $0xC000  }
0x8d: {  	[sflag:s9] =	ssyncset.done $0x0  }
0x8e: {  	[sflag:s9] =	ssyncadd.s32 $0xFFFF4000  }
0x8f: {  	[hbm4b:s24+s3] =	stream.linear.scatter [tilespmem:s7], [sflag:$0x2], $0xC000, $0x38;
	[tilespmem:$0x18C80] =	vst v63  }
0x90: {  	_ =	swait.ge [sflag:s10], $0xC000  }
0x91: {  	[sflag:s10] =	ssyncset.done $0x0  }
0x92: {  	[sflag:s10] =	ssyncadd.s32 $0xFFFF4000  }
0x93: {  	[tilespmem:s7], [sflag:$0x1] =	stream.indirect.gather [hbm4b:s2+s6], $0x80, s22, s6, $0xb8;
	[tilespmem:$0x18C80] =	vst v63  }
0x94: {  	_ =	swait.ge [sflag:s9], $0xC000  }
0x95: {  	[sflag:s9] =	ssyncset.done $0x0  }
0x96: {  	[sflag:s9] =	ssyncadd.s32 $0xFFFF4000  }
0x97: {  	[hbm4b:s25+s3] =	stream.linear.scatter [tilespmem:s8], [sflag:$0x2], $0xC000, $0x38;
	[tilespmem:$0x18C80] =	vst v63  }
0x98: {  	_ =	swait.ge [sflag:s10], $0xC000  }
0x99: {  	[sflag:s10] =	ssyncset.done $0x0  }
0x9a: {  	[sflag:s10] =	ssyncadd.s32 $0xFFFF4000  }
0x9b: {  	_ =	swait.ge [sflag:s9], $0xC000  }
.Ltmp1:
0x9c: {  	[sflag:s9] =	ssyncset.done $0x0;
	(pc) =	sbr.rel @p0 .LBB2_1-.Ltmp1, $4  }
0x9d: {  	[sflag:s9] =	ssyncadd.s32 $0xFFFF4000  }
0x9e: {  	[hbm4b:s26+s3] =	stream.linear.scatter [tilespmem:s7], [sflag:$0x2], $0xC000, $0x38;
	[tilespmem:$0x18C80] =	vst v63  }
0x9f: {  	_ =	swait.ge [sflag:s10], $0xC000  }
0xa0: {  	[sflag:s10] =	ssyncset.done $0x0  }
.LBB2_2:
0xa1: {  	[sflag:s10] =	ssyncadd.s32 $0xFFFF4000  }
0xa2: {  	_ =	sfence.sel $0x180000  }
0xa3: {  	[bflag:$0x0] =	sbarrier.arrive $0xFFFF  }
0xa4: {  	p0 =	sne.s32 s0, $0x0;
	_ =	strace $0x90000047  }
0xa5: {  	s0 =	sadd.s32 @!p0 $0x100000, s1;
	[bflag:$0x2] =	sbarrier.arrive $0xFFFF  }
0xa6: {  	[sflag:s0] =	ssyncadd.tile.s32 @!p0 $0x1;
	_ =	shalt  }
.Lfunc_end2:
_tile_overlayer_lowered:
.L_overlay_start_2:
0xa7: {  	(tag) =	ssettag $0x2  }
0xa8: {  	s0 =	rddreg [dreg:$0x0];
	s2 =	stileid.u32  }
0xa9: {  	s1 =	rddreg [dreg:$0x1];
	p0 =	sne.s32 s2, $0x0  }
0xaa: {  	s3 =	rddreg [dreg:$0x2];
	[bflag:$0x3] =	sbarrier.arrive $0xFFFF;
	s2 =	simm.s32 @!p0 $0x1C03  }
0xab: {  	[timem:s3], [sflag:s2] =	dma.local @!p0 [hbm:s0], s1  }
0xac: {  	s0 =	simm.s32 @!p0 $0x3  }
0xad: {  	_ =	swait.ge @!p0 [sflag:s0], s1  }
0xae: {  	s1 =	ssub.s32 @!p0 $0x0, s1;
	[sflag:s0] =	ssyncset.done @!p0 $0x0  }
0xaf: {  	[sflag:s0] =	ssyncadd.s32 @!p0 s1  }
0xb0: {  	[bflag:$0x3] =	sbarrier.arrive $0xFFFF  }
0xb1: {  	_ =	shalt  }

</sc_bundles>
